<compile_context>
chip_gen: v7x
topology: tpu7x:2x2x1
jax: 0.10.2.dev20260603
libtpu: 0.0.44.dev20260713+nightly
codegen_flags: <defaults>
</compile_context>

<pallas_src>
import functools

import jax
import jax.numpy as jnp
from jax import lax
from jax.experimental import pallas as pl
from jax.experimental.pallas import tpu as pltpu
from jax.experimental.pallas import tpu_sc as plsc

_NC = 2
_NS = 16
_NW = _NC * _NS

_CH = 128
_G = 4
_CB = _CH * _G
_KB = 4096


def _make_rows(wte_t, V, D):
    grid = (V + _KB - 1) // _KB

    def tr(x_ref, o_ref):
        xt = x_ref[...].T
        h = _KB // 2
        o_ref[...] = jnp.concatenate([xt[:h], xt[h:]], axis=1).reshape(_KB * D)

    return pl.pallas_call(
        tr,
        grid=(grid,),
        in_specs=[pl.BlockSpec((D, _KB), lambda i: (0, i))],
        out_specs=pl.BlockSpec((_KB * D,), lambda i: (i,)),
        out_shape=jax.ShapeDtypeStruct((grid * _KB * D,), jnp.float32),
    )(wte_t)


def kernel(input_ids, wte):
    B, L = input_ids.shape
    V, D = wte.shape
    N = B * L
    idx_flat = input_ids.T.reshape(N).astype(jnp.int32)
    rows_flat = _make_rows(wte.T, V, D)
    rows = rows_flat.reshape(rows_flat.shape[0] // D, D)

    ridx = (
        ((idx_flat >> 12) << 12)
        | ((idx_flat & 2047) << 1)
        | ((idx_flat >> 11) & 1)
    )

    b_per_w = B // _NW
    n_per_w = L * b_per_w
    n_blk = n_per_w // _CB
    assert b_per_w % _CB == 0 and n_blk % 2 == 0

    mesh = plsc.VectorSubcoreMesh(core_axis_name="c", subcore_axis_name="s")

    @functools.partial(
        pl.kernel,
        mesh=mesh,
        out_type=jax.ShapeDtypeStruct((L, B, D), jnp.float32),
        compiler_params=pltpu.CompilerParams(use_tc_tiling_on_sc=False),
        scratch_types=[
            pltpu.VMEM((n_per_w,), jnp.int32),
            pltpu.VMEM((_CB, D), jnp.float32),
            pltpu.VMEM((_CB, D), jnp.float32),
            pltpu.SemaphoreType.DMA,
            pltpu.SemaphoreType.DMA,
            pltpu.SemaphoreType.DMA,
            pltpu.SemaphoreType.DMA,
        ],
    )
    def emb(idx_hbm, table_hbm, out_hbm, idx_v, buf0, buf1, sg0, sg1, sw0, sw1):
        wid = lax.axis_index("s") * _NC + lax.axis_index("c")
        base_b = wid * b_per_w

        for l in range(L):
            pltpu.async_copy(
                idx_hbm.at[pl.ds(l * B + base_b, b_per_w)],
                idx_v.at[pl.ds(l * b_per_w, b_per_w)],
                sg0,
            )
        pltpu.make_async_copy(idx_hbm.at[pl.ds(0, n_per_w)], idx_v, sg0).wait()

        bufs = (buf0, buf1)
        sgs = (sg0, sg1)
        sws = (sw0, sw1)

        def fire_gathers(blk, buf, sem):
            off = blk * _CB
            for j in range(_G):
                pltpu.async_copy(
                    table_hbm.at[idx_v.at[pl.ds(off + j * _CH, _CH)]],
                    buf.at[pl.ds(j * _CH, _CH)],
                    sem,
                )

        def drain_gathers(buf, sem):
            pltpu.make_async_copy(table_hbm.at[pl.ds(0, _CB)], buf, sem).wait()

        def fire_writeout(blk, buf, sem):
            pltpu.async_copy(buf, out_hbm.at[blk, pl.ds(base_b, _CB)], sem)

        def drain_writeout(buf, sem):
            pltpu.make_async_copy(buf, out_hbm.at[0, pl.ds(base_b, _CB)], sem).wait()

        fire_gathers(0, buf0, sg0)

        def body(t, carry):
            for b in range(2):
                blk = 2 * t + b
                p, q = b % 2, (b + 1) % 2
                drain_gathers(bufs[p], sgs[p])

                @pl.when(jnp.logical_and(blk >= 1, blk + 1 < n_blk))
                def _():
                    drain_writeout(bufs[q], sws[q])

                @pl.when(blk + 1 < n_blk)
                def _():
                    fire_gathers(blk + 1, bufs[q], sgs[q])

                fire_writeout(blk, bufs[p], sws[p])
            return carry

        lax.fori_loop(0, n_blk // 2, body, 0)
        drain_writeout(bufs[0], sws[0])
        drain_writeout(bufs[1], sws[1])

    out = emb(ridx, rows)
    return out.transpose(1, 0, 2)

# --- scband reference (transcript-rebuilt; emitter-appended) ---
"""Pipeline reference for scband-mock-transformer-17403207483502 (READ-ONLY COPY).

The authoritative reference and input builder live on the scoring server;
editing this copy changes nothing except your own understanding.
"""

import jax, jax.numpy as jnp
import numpy as np

VOCAB = 1000000
HIDDEN = 64
B = 16384
L = 20

def setup_inputs(seed: int = 0) -> dict:
    key = jax.random.key(seed)
    k_idx, k_w = jax.random.split(key)
    input_ids = jax.random.randint(k_idx, (B, L), 0, VOCAB, dtype=jnp.int64 if jax.config.jax_enable_x64 else jnp.int32)
    wte = jax.random.normal(k_w, (VOCAB, HIDDEN), dtype=jnp.float32) * 0.02
    return {"input_ids": input_ids, "wte": wte}

def reference(input_ids, wte):
    # Faithful translation of nn.Embedding lookup: out = wte[input_ids]
    return jnp.take(wte, input_ids, axis=0)

if __name__ == "__main__":
    import jax
    _d = setup_inputs()
    print(jax.jit(kernel)(*tuple(_d.values())))

</pallas_src>

<mosaic_0001>
#map = affine_map<(d0, d1) -> (0)>
#map1 = affine_map<(d0, d1) -> (0, 0)>
#map2 = affine_map<(d0, d1) -> (0, 0, 0)>
module attributes {stable_mosaic.version = 14 : i64} {
  func.func @emb(%arg0: i32, %arg1: i32, %arg2: memref<327680xi32, #tpu.memory_space<hbm>>, %arg3: memref<1003520x64xf32, #tpu.memory_space<hbm>>, %arg4: memref<20x16384x64xf32, #tpu.memory_space<hbm>>, %arg5: memref<10240xi32, #tpu.memory_space<vmem>>, %arg6: memref<512x64xf32, #tpu.memory_space<vmem>>, %arg7: memref<512x64xf32, #tpu.memory_space<vmem>>, %arg8: memref<!tpu.dma_semaphore, #tpu.memory_space<semaphore_mem>>, %arg9: memref<!tpu.dma_semaphore, #tpu.memory_space<semaphore_mem>>, %arg10: memref<!tpu.dma_semaphore, #tpu.memory_space<semaphore_mem>>, %arg11: memref<!tpu.dma_semaphore, #tpu.memory_space<semaphore_mem>>) attributes {dimension_semantics = [#tpu.dimension_semantics<core_parallel>, #tpu.dimension_semantics<subcore_parallel>], iteration_bounds = array<i64: 2, 16>, scalar_prefetch = 0 : i64, scratch_operands = 7 : i64, tpu.core_type = #tpu.core_type<sc_vector_subcore>, window_params = [{transform_indices = #map}, {transform_indices = #map1}, {transform_indices = #map2}]} {
    %mul3A = arith.constant 2 : i32
    %mul3A_0 = arith.muli %arg1, %mul3A : i32
    %add3A = arith.addi %mul3A_0, %arg0 : i32
    %mul3A_1 = arith.constant 512 : i32
    %mul3A_2 = arith.muli %add3A, %mul3A_1 : i32
    %add3A_3 = arith.constant 0 : i32
    %add3A_4 = arith.addi %add3A_3, %mul3A_2 : i32
    %dma_start3A = arith.constant 0 : i32
    %dma_start3A_5 = tpu.memref_slice %arg5[%dma_start3A] : memref<10240xi32, #tpu.memory_space<vmem>> -> memref<512xi32, #tpu.memory_space<vmem>>
    %dma_start3A_6 = tpu.memref_slice %arg2[%add3A_4] : memref<327680xi32, #tpu.memory_space<hbm>> -> memref<512xi32, #tpu.memory_space<hbm>>
    %dma_start3A_7 = arith.constant 0 : i32
    %dma_start3A_8 = tpu.memref_slice %arg5[%dma_start3A_7] : memref<10240xi32, #tpu.memory_space<vmem>> -> memref<512xi32, #tpu.memory_space<vmem>>
    %dma_start3A_9 = tpu.memref_slice %arg2[%add3A_4] : memref<327680xi32, #tpu.memory_space<hbm>> -> memref<512xi32, #tpu.memory_space<hbm>>
    tpu.enqueue_dma source(%dma_start3A_9 : memref<512xi32, #tpu.memory_space<hbm>>) target(%dma_start3A_8 : memref<512xi32, #tpu.memory_space<vmem>>) target_semaphore(%arg8 : memref<!tpu.dma_semaphore, #tpu.memory_space<semaphore_mem>>)
    %add3A_10 = arith.constant 16384 : i32
    %add3A_11 = arith.addi %add3A_10, %mul3A_2 : i32
    %dma_start3A_12 = arith.constant 512 : i32
    %dma_start3A_13 = tpu.memref_slice %arg5[%dma_start3A_12] : memref<10240xi32, #tpu.memory_space<vmem>> -> memref<512xi32, #tpu.memory_space<vmem>>
    %dma_start3A_14 = tpu.memref_slice %arg2[%add3A_11] : memref<327680xi32, #tpu.memory_space<hbm>> -> memref<512xi32, #tpu.memory_space<hbm>>
    %dma_start3A_15 = arith.constant 512 : i32
    %dma_start3A_16 = tpu.memref_slice %arg5[%dma_start3A_15] : memref<10240xi32, #tpu.memory_space<vmem>> -> memref<512xi32, #tpu.memory_space<vmem>>
    %dma_start3A_17 = tpu.memref_slice %arg2[%add3A_11] : memref<327680xi32, #tpu.memory_space<hbm>> -> memref<512xi32, #tpu.memory_space<hbm>>
    tpu.enqueue_dma source(%dma_start3A_17 : memref<512xi32, #tpu.memory_space<hbm>>) target(%dma_start3A_16 : memref<512xi32, #tpu.memory_space<vmem>>) target_semaphore(%arg8 : memref<!tpu.dma_semaphore, #tpu.memory_space<semaphore_mem>>)
    %add3A_18 = arith.constant 32768 : i32
    %add3A_19 = arith.addi %add3A_18, %mul3A_2 : i32
    %dma_start3A_20 = arith.constant 1024 : i32
    %dma_start3A_21 = tpu.memref_slice %arg5[%dma_start3A_20] : memref<10240xi32, #tpu.memory_space<vmem>> -> memref<512xi32, #tpu.memory_space<vmem>>
    %dma_start3A_22 = tpu.memref_slice %arg2[%add3A_19] : memref<327680xi32, #tpu.memory_space<hbm>> -> memref<512xi32, #tpu.memory_space<hbm>>
    %dma_start3A_23 = arith.constant 1024 : i32
    %dma_start3A_24 = tpu.memref_slice %arg5[%dma_start3A_23] : memref<10240xi32, #tpu.memory_space<vmem>> -> memref<512xi32, #tpu.memory_space<vmem>>
    %dma_start3A_25 = tpu.memref_slice %arg2[%add3A_19] : memref<327680xi32, #tpu.memory_space<hbm>> -> memref<512xi32, #tpu.memory_space<hbm>>
    tpu.enqueue_dma source(%dma_start3A_25 : memref<512xi32, #tpu.memory_space<hbm>>) target(%dma_start3A_24 : memref<512xi32, #tpu.memory_space<vmem>>) target_semaphore(%arg8 : memref<!tpu.dma_semaphore, #tpu.memory_space<semaphore_mem>>)
    %add3A_26 = arith.constant 49152 : i32
    %add3A_27 = arith.addi %add3A_26, %mul3A_2 : i32
    %dma_start3A_28 = arith.constant 1536 : i32
    %dma_start3A_29 = tpu.memref_slice %arg5[%dma_start3A_28] : memref<10240xi32, #tpu.memory_space<vmem>> -> memref<512xi32, #tpu.memory_space<vmem>>
    %dma_start3A_30 = tpu.memref_slice %arg2[%add3A_27] : memref<327680xi32, #tpu.memory_space<hbm>> -> memref<512xi32, #tpu.memory_space<hbm>>
    %dma_start3A_31 = arith.constant 1536 : i32
    %dma_start3A_32 = tpu.memref_slice %arg5[%dma_start3A_31] : memref<10240xi32, #tpu.memory_space<vmem>> -> memref<512xi32, #tpu.memory_space<vmem>>
    %dma_start3A_33 = tpu.memref_slice %arg2[%add3A_27] : memref<327680xi32, #tpu.memory_space<hbm>> -> memref<512xi32, #tpu.memory_space<hbm>>
    tpu.enqueue_dma source(%dma_start3A_33 : memref<512xi32, #tpu.memory_space<hbm>>) target(%dma_start3A_32 : memref<512xi32, #tpu.memory_space<vmem>>) target_semaphore(%arg8 : memref<!tpu.dma_semaphore, #tpu.memory_space<semaphore_mem>>)
    %add3A_34 = arith.constant 65536 : i32
    %add3A_35 = arith.addi %add3A_34, %mul3A_2 : i32
    %dma_start3A_36 = arith.constant 2048 : i32
    %dma_start3A_37 = tpu.memref_slice %arg5[%dma_start3A_36] : memref<10240xi32, #tpu.memory_space<vmem>> -> memref<512xi32, #tpu.memory_space<vmem>>
    %dma_start3A_38 = tpu.memref_slice %arg2[%add3A_35] : memref<327680xi32, #tpu.memory_space<hbm>> -> memref<512xi32, #tpu.memory_space<hbm>>
    %dma_start3A_39 = arith.constant 2048 : i32
    %dma_start3A_40 = tpu.memref_slice %arg5[%dma_start3A_39] : memref<10240xi32, #tpu.memory_space<vmem>> -> memref<512xi32, #tpu.memory_space<vmem>>
    %dma_start3A_41 = tpu.memref_slice %arg2[%add3A_35] : memref<327680xi32, #tpu.memory_space<hbm>> -> memref<512xi32, #tpu.memory_space<hbm>>
    tpu.enqueue_dma source(%dma_start3A_41 : memref<512xi32, #tpu.memory_space<hbm>>) target(%dma_start3A_40 : memref<512xi32, #tpu.memory_space<vmem>>) target_semaphore(%arg8 : memref<!tpu.dma_semaphore, #tpu.memory_space<semaphore_mem>>)
    %add3A_42 = arith.constant 81920 : i32
    %add3A_43 = arith.addi %add3A_42, %mul3A_2 : i32
    %dma_start3A_44 = arith.constant 2560 : i32
    %dma_start3A_45 = tpu.memref_slice %arg5[%dma_start3A_44] : memref<10240xi32, #tpu.memory_space<vmem>> -> memref<512xi32, #tpu.memory_space<vmem>>
    %dma_start3A_46 = tpu.memref_slice %arg2[%add3A_43] : memref<327680xi32, #tpu.memory_space<hbm>> -> memref<512xi32, #tpu.memory_space<hbm>>
    %dma_start3A_47 = arith.constant 2560 : i32
    %dma_start3A_48 = tpu.memref_slice %arg5[%dma_start3A_47] : memref<10240xi32, #tpu.memory_space<vmem>> -> memref<512xi32, #tpu.memory_space<vmem>>
    %dma_start3A_49 = tpu.memref_slice %arg2[%add3A_43] : memref<327680xi32, #tpu.memory_space<hbm>> -> memref<512xi32, #tpu.memory_space<hbm>>
    tpu.enqueue_dma source(%dma_start3A_49 : memref<512xi32, #tpu.memory_space<hbm>>) target(%dma_start3A_48 : memref<512xi32, #tpu.memory_space<vmem>>) target_semaphore(%arg8 : memref<!tpu.dma_semaphore, #tpu.memory_space<semaphore_mem>>)
    %add3A_50 = arith.constant 98304 : i32
    %add3A_51 = arith.addi %add3A_50, %mul3A_2 : i32
    %dma_start3A_52 = arith.constant 3072 : i32
    %dma_start3A_53 = tpu.memref_slice %arg5[%dma_start3A_52] : memref<10240xi32, #tpu.memory_space<vmem>> -> memref<512xi32, #tpu.memory_space<vmem>>
    %dma_start3A_54 = tpu.memref_slice %arg2[%add3A_51] : memref<327680xi32, #tpu.memory_space<hbm>> -> memref<512xi32, #tpu.memory_space<hbm>>
    %dma_start3A_55 = arith.constant 3072 : i32
    %dma_start3A_56 = tpu.memref_slice %arg5[%dma_start3A_55] : memref<10240xi32, #tpu.memory_space<vmem>> -> memref<512xi32, #tpu.memory_space<vmem>>
    %dma_start3A_57 = tpu.memref_slice %arg2[%add3A_51] : memref<327680xi32, #tpu.memory_space<hbm>> -> memref<512xi32, #tpu.memory_space<hbm>>
    tpu.enqueue_dma source(%dma_start3A_57 : memref<512xi32, #tpu.memory_space<hbm>>) target(%dma_start3A_56 : memref<512xi32, #tpu.memory_space<vmem>>) target_semaphore(%arg8 : memref<!tpu.dma_semaphore, #tpu.memory_space<semaphore_mem>>)
    %add3A_58 = arith.constant 114688 : i32
    %add3A_59 = arith.addi %add3A_58, %mul3A_2 : i32
    %dma_start3A_60 = arith.constant 3584 : i32
    %dma_start3A_61 = tpu.memref_slice %arg5[%dma_start3A_60] : memref<10240xi32, #tpu.memory_space<vmem>> -> memref<512xi32, #tpu.memory_space<vmem>>
    %dma_start3A_62 = tpu.memref_slice %arg2[%add3A_59] : memref<327680xi32, #tpu.memory_space<hbm>> -> memref<512xi32, #tpu.memory_space<hbm>>
    %dma_start3A_63 = arith.constant 3584 : i32
    %dma_start3A_64 = tpu.memref_slice %arg5[%dma_start3A_63] : memref<10240xi32, #tpu.memory_space<vmem>> -> memref<512xi32, #tpu.memory_space<vmem>>
    %dma_start3A_65 = tpu.memref_slice %arg2[%add3A_59] : memref<327680xi32, #tpu.memory_space<hbm>> -> memref<512xi32, #tpu.memory_space<hbm>>
    tpu.enqueue_dma source(%dma_start3A_65 : memref<512xi32, #tpu.memory_space<hbm>>) target(%dma_start3A_64 : memref<512xi32, #tpu.memory_space<vmem>>) target_semaphore(%arg8 : memref<!tpu.dma_semaphore, #tpu.memory_space<semaphore_mem>>)
    %add3A_66 = arith.constant 131072 : i32
    %add3A_67 = arith.addi %add3A_66, %mul3A_2 : i32
    %dma_start3A_68 = arith.constant 4096 : i32
    %dma_start3A_69 = tpu.memref_slice %arg5[%dma_start3A_68] : memref<10240xi32, #tpu.memory_space<vmem>> -> memref<512xi32, #tpu.memory_space<vmem>>
    %dma_start3A_70 = tpu.memref_slice %arg2[%add3A_67] : memref<327680xi32, #tpu.memory_space<hbm>> -> memref<512xi32, #tpu.memory_space<hbm>>
    %dma_start3A_71 = arith.constant 4096 : i32
    %dma_start3A_72 = tpu.memref_slice %arg5[%dma_start3A_71] : memref<10240xi32, #tpu.memory_space<vmem>> -> memref<512xi32, #tpu.memory_space<vmem>>
    %dma_start3A_73 = tpu.memref_slice %arg2[%add3A_67] : memref<327680xi32, #tpu.memory_space<hbm>> -> memref<512xi32, #tpu.memory_space<hbm>>
    tpu.enqueue_dma source(%dma_start3A_73 : memref<512xi32, #tpu.memory_space<hbm>>) target(%dma_start3A_72 : memref<512xi32, #tpu.memory_space<vmem>>) target_semaphore(%arg8 : memref<!tpu.dma_semaphore, #tpu.memory_space<semaphore_mem>>)
    %add3A_74 = arith.constant 147456 : i32
    %add3A_75 = arith.addi %add3A_74, %mul3A_2 : i32
    %dma_start3A_76 = arith.constant 4608 : i32
    %dma_start3A_77 = tpu.memref_slice %arg5[%dma_start3A_76] : memref<10240xi32, #tpu.memory_space<vmem>> -> memref<512xi32, #tpu.memory_space<vmem>>
    %dma_start3A_78 = tpu.memref_slice %arg2[%add3A_75] : memref<327680xi32, #tpu.memory_space<hbm>> -> memref<512xi32, #tpu.memory_space<hbm>>
    %dma_start3A_79 = arith.constant 4608 : i32
    %dma_start3A_80 = tpu.memref_slice %arg5[%dma_start3A_79] : memref<10240xi32, #tpu.memory_space<vmem>> -> memref<512xi32, #tpu.memory_space<vmem>>
    %dma_start3A_81 = tpu.memref_slice %arg2[%add3A_75] : memref<327680xi32, #tpu.memory_space<hbm>> -> memref<512xi32, #tpu.memory_space<hbm>>
    tpu.enqueue_dma source(%dma_start3A_81 : memref<512xi32, #tpu.memory_space<hbm>>) target(%dma_start3A_80 : memref<512xi32, #tpu.memory_space<vmem>>) target_semaphore(%arg8 : memref<!tpu.dma_semaphore, #tpu.memory_space<semaphore_mem>>)
    %add3A_82 = arith.constant 163840 : i32
    %add3A_83 = arith.addi %add3A_82, %mul3A_2 : i32
    %dma_start3A_84 = arith.constant 5120 : i32
    %dma_start3A_85 = tpu.memref_slice %arg5[%dma_start3A_84] : memref<10240xi32, #tpu.memory_space<vmem>> -> memref<512xi32, #tpu.memory_space<vmem>>
    %dma_start3A_86 = tpu.memref_slice %arg2[%add3A_83] : memref<327680xi32, #tpu.memory_space<hbm>> -> memref<512xi32, #tpu.memory_space<hbm>>
    %dma_start3A_87 = arith.constant 5120 : i32
    %dma_start3A_88 = tpu.memref_slice %arg5[%dma_start3A_87] : memref<10240xi32, #tpu.memory_space<vmem>> -> memref<512xi32, #tpu.memory_space<vmem>>
    %dma_start3A_89 = tpu.memref_slice %arg2[%add3A_83] : memref<327680xi32, #tpu.memory_space<hbm>> -> memref<512xi32, #tpu.memory_space<hbm>>
    tpu.enqueue_dma source(%dma_start3A_89 : memref<512xi32, #tpu.memory_space<hbm>>) target(%dma_start3A_88 : memref<512xi32, #tpu.memory_space<vmem>>) target_semaphore(%arg8 : memref<!tpu.dma_semaphore, #tpu.memory_space<semaphore_mem>>)
    %add3A_90 = arith.constant 180224 : i32
    %add3A_91 = arith.addi %add3A_90, %mul3A_2 : i32
    %dma_start3A_92 = arith.constant 5632 : i32
    %dma_start3A_93 = tpu.memref_slice %arg5[%dma_start3A_92] : memref<10240xi32, #tpu.memory_space<vmem>> -> memref<512xi32, #tpu.memory_space<vmem>>
    %dma_start3A_94 = tpu.memref_slice %arg2[%add3A_91] : memref<327680xi32, #tpu.memory_space<hbm>> -> memref<512xi32, #tpu.memory_space<hbm>>
    %dma_start3A_95 = arith.constant 5632 : i32
    %dma_start3A_96 = tpu.memref_slice %arg5[%dma_start3A_95] : memref<10240xi32, #tpu.memory_space<vmem>> -> memref<512xi32, #tpu.memory_space<vmem>>
    %dma_start3A_97 = tpu.memref_slice %arg2[%add3A_91] : memref<327680xi32, #tpu.memory_space<hbm>> -> memref<512xi32, #tpu.memory_space<hbm>>
    tpu.enqueue_dma source(%dma_start3A_97 : memref<512xi32, #tpu.memory_space<hbm>>) target(%dma_start3A_96 : memref<512xi32, #tpu.memory_space<vmem>>) target_semaphore(%arg8 : memref<!tpu.dma_semaphore, #tpu.memory_space<semaphore_mem>>)
    %add3A_98 = arith.constant 196608 : i32
    %add3A_99 = arith.addi %add3A_98, %mul3A_2 : i32
    %dma_start3A_100 = arith.constant 6144 : i32
    %dma_start3A_101 = tpu.memref_slice %arg5[%dma_start3A_100] : memref<10240xi32, #tpu.memory_space<vmem>> -> memref<512xi32, #tpu.memory_space<vmem>>
    %dma_start3A_102 = tpu.memref_slice %arg2[%add3A_99] : memref<327680xi32, #tpu.memory_space<hbm>> -> memref<512xi32, #tpu.memory_space<hbm>>
    %dma_start3A_103 = arith.constant 6144 : i32
    %dma_start3A_104 = tpu.memref_slice %arg5[%dma_start3A_103] : memref<10240xi32, #tpu.memory_space<vmem>> -> memref<512xi32, #tpu.memory_space<vmem>>
    %dma_start3A_105 = tpu.memref_slice %arg2[%add3A_99] : memref<327680xi32, #tpu.memory_space<hbm>> -> memref<512xi32, #tpu.memory_space<hbm>>
    tpu.enqueue_dma source(%dma_start3A_105 : memref<512xi32, #tpu.memory_space<hbm>>) target(%dma_start3A_104 : memref<512xi32, #tpu.memory_space<vmem>>) target_semaphore(%arg8 : memref<!tpu.dma_semaphore, #tpu.memory_space<semaphore_mem>>)
    %add3A_106 = arith.constant 212992 : i32
    %add3A_107 = arith.addi %add3A_106, %mul3A_2 : i32
    %dma_start3A_108 = arith.constant 6656 : i32
    %dma_start3A_109 = tpu.memref_slice %arg5[%dma_start3A_108] : memref<10240xi32, #tpu.memory_space<vmem>> -> memref<512xi32, #tpu.memory_space<vmem>>
    %dma_start3A_110 = tpu.memref_slice %arg2[%add3A_107] : memref<327680xi32, #tpu.memory_space<hbm>> -> memref<512xi32, #tpu.memory_space<hbm>>
    %dma_start3A_111 = arith.constant 6656 : i32
    %dma_start3A_112 = tpu.memref_slice %arg5[%dma_start3A_111] : memref<10240xi32, #tpu.memory_space<vmem>> -> memref<512xi32, #tpu.memory_space<vmem>>
    %dma_start3A_113 = tpu.memref_slice %arg2[%add3A_107] : memref<327680xi32, #tpu.memory_space<hbm>> -> memref<512xi32, #tpu.memory_space<hbm>>
    tpu.enqueue_dma source(%dma_start3A_113 : memref<512xi32, #tpu.memory_space<hbm>>) target(%dma_start3A_112 : memref<512xi32, #tpu.memory_space<vmem>>) target_semaphore(%arg8 : memref<!tpu.dma_semaphore, #tpu.memory_space<semaphore_mem>>)
    %add3A_114 = arith.constant 229376 : i32
    %add3A_115 = arith.addi %add3A_114, %mul3A_2 : i32
    %dma_start3A_116 = arith.constant 7168 : i32
    %dma_start3A_117 = tpu.memref_slice %arg5[%dma_start3A_116] : memref<10240xi32, #tpu.memory_space<vmem>> -> memref<512xi32, #tpu.memory_space<vmem>>
    %dma_start3A_118 = tpu.memref_slice %arg2[%add3A_115] : memref<327680xi32, #tpu.memory_space<hbm>> -> memref<512xi32, #tpu.memory_space<hbm>>
    %dma_start3A_119 = arith.constant 7168 : i32
    %dma_start3A_120 = tpu.memref_slice %arg5[%dma_start3A_119] : memref<10240xi32, #tpu.memory_space<vmem>> -> memref<512xi32, #tpu.memory_space<vmem>>
    %dma_start3A_121 = tpu.memref_slice %arg2[%add3A_115] : memref<327680xi32, #tpu.memory_space<hbm>> -> memref<512xi32, #tpu.memory_space<hbm>>
    tpu.enqueue_dma source(%dma_start3A_121 : memref<512xi32, #tpu.memory_space<hbm>>) target(%dma_start3A_120 : memref<512xi32, #tpu.memory_space<vmem>>) target_semaphore(%arg8 : memref<!tpu.dma_semaphore, #tpu.memory_space<semaphore_mem>>)
    %add3A_122 = arith.constant 245760 : i32
    %add3A_123 = arith.addi %add3A_122, %mul3A_2 : i32
    %dma_start3A_124 = arith.constant 7680 : i32
    %dma_start3A_125 = tpu.memref_slice %arg5[%dma_start3A_124] : memref<10240xi32, #tpu.memory_space<vmem>> -> memref<512xi32, #tpu.memory_space<vmem>>
    %dma_start3A_126 = tpu.memref_slice %arg2[%add3A_123] : memref<327680xi32, #tpu.memory_space<hbm>> -> memref<512xi32, #tpu.memory_space<hbm>>
    %dma_start3A_127 = arith.constant 7680 : i32
    %dma_start3A_128 = tpu.memref_slice %arg5[%dma_start3A_127] : memref<10240xi32, #tpu.memory_space<vmem>> -> memref<512xi32, #tpu.memory_space<vmem>>
    %dma_start3A_129 = tpu.memref_slice %arg2[%add3A_123] : memref<327680xi32, #tpu.memory_space<hbm>> -> memref<512xi32, #tpu.memory_space<hbm>>
    tpu.enqueue_dma source(%dma_start3A_129 : memref<512xi32, #tpu.memory_space<hbm>>) target(%dma_start3A_128 : memref<512xi32, #tpu.memory_space<vmem>>) target_semaphore(%arg8 : memref<!tpu.dma_semaphore, #tpu.memory_space<semaphore_mem>>)
    %add3A_130 = arith.constant 262144 : i32
    %add3A_131 = arith.addi %add3A_130, %mul3A_2 : i32
    %dma_start3A_132 = arith.constant 8192 : i32
    %dma_start3A_133 = tpu.memref_slice %arg5[%dma_start3A_132] : memref<10240xi32, #tpu.memory_space<vmem>> -> memref<512xi32, #tpu.memory_space<vmem>>
    %dma_start3A_134 = tpu.memref_slice %arg2[%add3A_131] : memref<327680xi32, #tpu.memory_space<hbm>> -> memref<512xi32, #tpu.memory_space<hbm>>
    %dma_start3A_135 = arith.constant 8192 : i32
    %dma_start3A_136 = tpu.memref_slice %arg5[%dma_start3A_135] : memref<10240xi32, #tpu.memory_space<vmem>> -> memref<512xi32, #tpu.memory_space<vmem>>
    %dma_start3A_137 = tpu.memref_slice %arg2[%add3A_131] : memref<327680xi32, #tpu.memory_space<hbm>> -> memref<512xi32, #tpu.memory_space<hbm>>
    tpu.enqueue_dma source(%dma_start3A_137 : memref<512xi32, #tpu.memory_space<hbm>>) target(%dma_start3A_136 : memref<512xi32, #tpu.memory_space<vmem>>) target_semaphore(%arg8 : memref<!tpu.dma_semaphore, #tpu.memory_space<semaphore_mem>>)
    %add3A_138 = arith.constant 278528 : i32
    %add3A_139 = arith.addi %add3A_138, %mul3A_2 : i32
    %dma_start3A_140 = arith.constant 8704 : i32
    %dma_start3A_141 = tpu.memref_slice %arg5[%dma_start3A_140] : memref<10240xi32, #tpu.memory_space<vmem>> -> memref<512xi32, #tpu.memory_space<vmem>>
    %dma_start3A_142 = tpu.memref_slice %arg2[%add3A_139] : memref<327680xi32, #tpu.memory_space<hbm>> -> memref<512xi32, #tpu.memory_space<hbm>>
    %dma_start3A_143 = arith.constant 8704 : i32
    %dma_start3A_144 = tpu.memref_slice %arg5[%dma_start3A_143] : memref<10240xi32, #tpu.memory_space<vmem>> -> memref<512xi32, #tpu.memory_space<vmem>>
    %dma_start3A_145 = tpu.memref_slice %arg2[%add3A_139] : memref<327680xi32, #tpu.memory_space<hbm>> -> memref<512xi32, #tpu.memory_space<hbm>>
    tpu.enqueue_dma source(%dma_start3A_145 : memref<512xi32, #tpu.memory_space<hbm>>) target(%dma_start3A_144 : memref<512xi32, #tpu.memory_space<vmem>>) target_semaphore(%arg8 : memref<!tpu.dma_semaphore, #tpu.memory_space<semaphore_mem>>)
    %add3A_146 = arith.constant 294912 : i32
    %add3A_147 = arith.addi %add3A_146, %mul3A_2 : i32
    %dma_start3A_148 = arith.constant 9216 : i32
    %dma_start3A_149 = tpu.memref_slice %arg5[%dma_start3A_148] : memref<10240xi32, #tpu.memory_space<vmem>> -> memref<512xi32, #tpu.memory_space<vmem>>
    %dma_start3A_150 = tpu.memref_slice %arg2[%add3A_147] : memref<327680xi32, #tpu.memory_space<hbm>> -> memref<512xi32, #tpu.memory_space<hbm>>
    %dma_start3A_151 = arith.constant 9216 : i32
    %dma_start3A_152 = tpu.memref_slice %arg5[%dma_start3A_151] : memref<10240xi32, #tpu.memory_space<vmem>> -> memref<512xi32, #tpu.memory_space<vmem>>
    %dma_start3A_153 = tpu.memref_slice %arg2[%add3A_147] : memref<327680xi32, #tpu.memory_space<hbm>> -> memref<512xi32, #tpu.memory_space<hbm>>
    tpu.enqueue_dma source(%dma_start3A_153 : memref<512xi32, #tpu.memory_space<hbm>>) target(%dma_start3A_152 : memref<512xi32, #tpu.memory_space<vmem>>) target_semaphore(%arg8 : memref<!tpu.dma_semaphore, #tpu.memory_space<semaphore_mem>>)
    %add3A_154 = arith.constant 311296 : i32
    %add3A_155 = arith.addi %add3A_154, %mul3A_2 : i32
    %dma_start3A_156 = arith.constant 9728 : i32
    %dma_start3A_157 = tpu.memref_slice %arg5[%dma_start3A_156] : memref<10240xi32, #tpu.memory_space<vmem>> -> memref<512xi32, #tpu.memory_space<vmem>>
    %dma_start3A_158 = tpu.memref_slice %arg2[%add3A_155] : memref<327680xi32, #tpu.memory_space<hbm>> -> memref<512xi32, #tpu.memory_space<hbm>>
    %dma_start3A_159 = arith.constant 9728 : i32
    %dma_start3A_160 = tpu.memref_slice %arg5[%dma_start3A_159] : memref<10240xi32, #tpu.memory_space<vmem>> -> memref<512xi32, #tpu.memory_space<vmem>>
    %dma_start3A_161 = tpu.memref_slice %arg2[%add3A_155] : memref<327680xi32, #tpu.memory_space<hbm>> -> memref<512xi32, #tpu.memory_space<hbm>>
    tpu.enqueue_dma source(%dma_start3A_161 : memref<512xi32, #tpu.memory_space<hbm>>) target(%dma_start3A_160 : memref<512xi32, #tpu.memory_space<vmem>>) target_semaphore(%arg8 : memref<!tpu.dma_semaphore, #tpu.memory_space<semaphore_mem>>)
    %dma_wait3A = arith.constant 0 : i32
    %dma_wait3A_162 = tpu.memref_slice %arg2[%dma_wait3A] : memref<327680xi32, #tpu.memory_space<hbm>> -> memref<10240xi32, #tpu.memory_space<hbm>>
    %dma_wait3A_163 = arith.constant 0 : i32
    %dma_wait3A_164 = tpu.memref_slice %arg2[%dma_wait3A_163] : memref<327680xi32, #tpu.memory_space<hbm>> -> memref<10240xi32, #tpu.memory_space<hbm>>
    tpu.wait_dma2 semaphore(%arg8 : memref<!tpu.dma_semaphore, #tpu.memory_space<semaphore_mem>>) src(%dma_wait3A_164 : memref<10240xi32, #tpu.memory_space<hbm>>) dst(%arg5 : memref<10240xi32, #tpu.memory_space<vmem>>)
    %dma_start3A_165 = arith.constant 0 : i32
    %dma_start3A_166 = arith.constant 0 : i32
    %dma_start3A_167 = tpu.memref_slice %arg6[%dma_start3A_165, %dma_start3A_166] : memref<512x64xf32, #tpu.memory_space<vmem>> -> memref<128x64xf32, #tpu.memory_space<vmem>>
    %dma_start3A_168 = arith.constant 0 : i32
    %dma_start3A_169 = tpu.memref_slice %arg5[%dma_start3A_168] : memref<10240xi32, #tpu.memory_space<vmem>> -> memref<128xi32, #tpu.memory_space<vmem>>
    %dma_start3A_170 = arith.constant 0 : i32
    %dma_start3A_171 = arith.constant 0 : i32
    %dma_start3A_172 = tpu.memref_slice %arg3[%dma_start3A_170, %dma_start3A_171] : memref<1003520x64xf32, #tpu.memory_space<hbm>> -> memref<1003520x64xf32, #tpu.memory_space<hbm>>
    tpu.enqueue_indirect_dma source(%dma_start3A_172 : memref<1003520x64xf32, #tpu.memory_space<hbm>>) target(%dma_start3A_167 : memref<128x64xf32, #tpu.memory_space<vmem>>) offsets(%dma_start3A_169 : memref<128xi32, #tpu.memory_space<vmem>>) semaphore(%arg8 : memref<!tpu.dma_semaphore, #tpu.memory_space<semaphore_mem>>)
    %dma_start3A_173 = arith.constant 128 : i32
    %dma_start3A_174 = arith.constant 0 : i32
    %dma_start3A_175 = tpu.memref_slice %arg6[%dma_start3A_173, %dma_start3A_174] : memref<512x64xf32, #tpu.memory_space<vmem>> -> memref<128x64xf32, #tpu.memory_space<vmem>>
    %dma_start3A_176 = arith.constant 128 : i32
    %dma_start3A_177 = tpu.memref_slice %arg5[%dma_start3A_176] : memref<10240xi32, #tpu.memory_space<vmem>> -> memref<128xi32, #tpu.memory_space<vmem>>
    %dma_start3A_178 = arith.constant 0 : i32
    %dma_start3A_179 = arith.constant 0 : i32
    %dma_start3A_180 = tpu.memref_slice %arg3[%dma_start3A_178, %dma_start3A_179] : memref<1003520x64xf32, #tpu.memory_space<hbm>> -> memref<1003520x64xf32, #tpu.memory_space<hbm>>
    tpu.enqueue_indirect_dma source(%dma_start3A_180 : memref<1003520x64xf32, #tpu.memory_space<hbm>>) target(%dma_start3A_175 : memref<128x64xf32, #tpu.memory_space<vmem>>) offsets(%dma_start3A_177 : memref<128xi32, #tpu.memory_space<vmem>>) semaphore(%arg8 : memref<!tpu.dma_semaphore, #tpu.memory_space<semaphore_mem>>)
    %dma_start3A_181 = arith.constant 256 : i32
    %dma_start3A_182 = arith.constant 0 : i32
    %dma_start3A_183 = tpu.memref_slice %arg6[%dma_start3A_181, %dma_start3A_182] : memref<512x64xf32, #tpu.memory_space<vmem>> -> memref<128x64xf32, #tpu.memory_space<vmem>>
    %dma_start3A_184 = arith.constant 256 : i32
    %dma_start3A_185 = tpu.memref_slice %arg5[%dma_start3A_184] : memref<10240xi32, #tpu.memory_space<vmem>> -> memref<128xi32, #tpu.memory_space<vmem>>
    %dma_start3A_186 = arith.constant 0 : i32
    %dma_start3A_187 = arith.constant 0 : i32
    %dma_start3A_188 = tpu.memref_slice %arg3[%dma_start3A_186, %dma_start3A_187] : memref<1003520x64xf32, #tpu.memory_space<hbm>> -> memref<1003520x64xf32, #tpu.memory_space<hbm>>
    tpu.enqueue_indirect_dma source(%dma_start3A_188 : memref<1003520x64xf32, #tpu.memory_space<hbm>>) target(%dma_start3A_183 : memref<128x64xf32, #tpu.memory_space<vmem>>) offsets(%dma_start3A_185 : memref<128xi32, #tpu.memory_space<vmem>>) semaphore(%arg8 : memref<!tpu.dma_semaphore, #tpu.memory_space<semaphore_mem>>)
    %dma_start3A_189 = arith.constant 384 : i32
    %dma_start3A_190 = arith.constant 0 : i32
    %dma_start3A_191 = tpu.memref_slice %arg6[%dma_start3A_189, %dma_start3A_190] : memref<512x64xf32, #tpu.memory_space<vmem>> -> memref<128x64xf32, #tpu.memory_space<vmem>>
    %dma_start3A_192 = arith.constant 384 : i32
    %dma_start3A_193 = tpu.memref_slice %arg5[%dma_start3A_192] : memref<10240xi32, #tpu.memory_space<vmem>> -> memref<128xi32, #tpu.memory_space<vmem>>
    %dma_start3A_194 = arith.constant 0 : i32
    %dma_start3A_195 = arith.constant 0 : i32
    %dma_start3A_196 = tpu.memref_slice %arg3[%dma_start3A_194, %dma_start3A_195] : memref<1003520x64xf32, #tpu.memory_space<hbm>> -> memref<1003520x64xf32, #tpu.memory_space<hbm>>
    tpu.enqueue_indirect_dma source(%dma_start3A_196 : memref<1003520x64xf32, #tpu.memory_space<hbm>>) target(%dma_start3A_191 : memref<128x64xf32, #tpu.memory_space<vmem>>) offsets(%dma_start3A_193 : memref<128xi32, #tpu.memory_space<vmem>>) semaphore(%arg8 : memref<!tpu.dma_semaphore, #tpu.memory_space<semaphore_mem>>)
    %scan3A = arith.constant 0 : i32
    %scan3A_197 = arith.constant 0 : i32
    %scan3A_198 = arith.constant 10 : i32
    %scan3A_199 = arith.addi %scan3A_197, %scan3A_198 : i32
    %scan3A_200 = arith.constant 1 : i32
    scf.for %scan3A_216 = %scan3A_197 to %scan3A_199 step %scan3A_200  : i32 {
      %mul3A_217 = arith.constant 2 : i32
      %mul3A_218 = arith.muli %mul3A_217, %scan3A_216 : i32
      %add3A_219 = arith.constant 0 : i32
      %add3A_220 = arith.addi %mul3A_218, %add3A_219 : i32
      %dma_wait3A_221 = arith.constant 0 : i32
      %dma_wait3A_222 = arith.constant 0 : i32
      %dma_wait3A_223 = tpu.memref_slice %arg3[%dma_wait3A_221, %dma_wait3A_222] : memref<1003520x64xf32, #tpu.memory_space<hbm>> -> memref<512x64xf32, #tpu.memory_space<hbm>>
      %dma_wait3A_224 = arith.constant 0 : i32
      %dma_wait3A_225 = arith.constant 0 : i32
      %dma_wait3A_226 = tpu.memref_slice %arg3[%dma_wait3A_224, %dma_wait3A_225] : memref<1003520x64xf32, #tpu.memory_space<hbm>> -> memref<512x64xf32, #tpu.memory_space<hbm>>
      tpu.wait_dma2 semaphore(%arg8 : memref<!tpu.dma_semaphore, #tpu.memory_space<semaphore_mem>>) src(%dma_wait3A_226 : memref<512x64xf32, #tpu.memory_space<hbm>>) dst(%arg6 : memref<512x64xf32, #tpu.memory_space<vmem>>)
      %ge3A = arith.constant 1 : i32
      %ge3A_227 = arith.cmpi sge, %add3A_220, %ge3A : i32
      %add3A_228 = arith.constant 1 : i32
      %add3A_229 = arith.addi %add3A_220, %add3A_228 : i32
      %lt3A = arith.constant 20 : i32
      %lt3A_230 = arith.cmpi slt, %add3A_229, %lt3A : i32
      %and3A = arith.andi %ge3A_227, %lt3A_230 : i1
      %convert_element_type3A = arith.extui %and3A : i1 to i32
      %cond3A = arith.constant 0 : i32
      %cond3A_231 = arith.cmpi ne, %convert_element_type3A, %cond3A : i32
      scf.if %cond3A_231 {
        %dma_wait3A_278 = arith.constant 0 : i32
        %dma_wait3A_279 = arith.constant 0 : i32
        %dma_wait3A_280 = tpu.memref_slice %arg4[%dma_wait3A_278, %mul3A_2, %dma_wait3A_279] : memref<20x16384x64xf32, #tpu.memory_space<hbm>> -> memref<1x512x64xf32, #tpu.memory_space<hbm>>
        %dma_wait3A_281 = tpu.memref_squeeze %dma_wait3A_280 : memref<1x512x64xf32, #tpu.memory_space<hbm>> -> memref<512x64xf32, #tpu.memory_space<hbm>>
        %dma_wait3A_282 = arith.constant 0 : i32
        %dma_wait3A_283 = tpu.memref_slice %arg4[%dma_wait3A_278, %mul3A_2, %dma_wait3A_282] : memref<20x16384x64xf32, #tpu.memory_space<hbm>> -> memref<1x512x64xf32, #tpu.memory_space<hbm>>
        %dma_wait3A_284 = tpu.memref_squeeze %dma_wait3A_283 : memref<1x512x64xf32, #tpu.memory_space<hbm>> -> memref<512x64xf32, #tpu.memory_space<hbm>>
        tpu.wait_dma2 semaphore(%arg11 : memref<!tpu.dma_semaphore, #tpu.memory_space<semaphore_mem>>) src(%arg7 : memref<512x64xf32, #tpu.memory_space<vmem>>) dst(%dma_wait3A_284 : memref<512x64xf32, #tpu.memory_space<hbm>>)
      } else {
      }
      %add3A_232 = arith.constant 1 : i32
      %add3A_233 = arith.addi %add3A_220, %add3A_232 : i32
      %lt3A_234 = arith.constant 20 : i32
      %lt3A_235 = arith.cmpi slt, %add3A_233, %lt3A_234 : i32
      %convert_element_type3A_236 = arith.extui %lt3A_235 : i1 to i32
      %cond3A_237 = arith.constant 0 : i32
      %cond3A_238 = arith.cmpi ne, %convert_element_type3A_236, %cond3A_237 : i32
      scf.if %cond3A_238 {
        %add3A_278 = arith.constant 1 : i32
        %add3A_279 = arith.addi %add3A_220, %add3A_278 : i32
        %mul3A_280 = arith.constant 512 : i32
        %mul3A_281 = arith.muli %add3A_279, %mul3A_280 : i32
        %add3A_282 = arith.constant 0 : i32
        %add3A_283 = arith.addi %mul3A_281, %add3A_282 : i32
        %dma_start3A_284 = arith.constant 0 : i32
        %dma_start3A_285 = arith.constant 0 : i32
        %dma_start3A_286 = tpu.memref_slice %arg7[%dma_start3A_284, %dma_start3A_285] : memref<512x64xf32, #tpu.memory_space<vmem>> -> memref<128x64xf32, #tpu.memory_space<vmem>>
        %dma_start3A_287 = tpu.memref_slice %arg5[%add3A_283] : memref<10240xi32, #tpu.memory_space<vmem>> -> memref<128xi32, #tpu.memory_space<vmem>>
        %dma_start3A_288 = arith.constant 0 : i32
        %dma_start3A_289 = arith.constant 0 : i32
        %dma_start3A_290 = tpu.memref_slice %arg3[%dma_start3A_288, %dma_start3A_289] : memref<1003520x64xf32, #tpu.memory_space<hbm>> -> memref<1003520x64xf32, #tpu.memory_space<hbm>>
        tpu.enqueue_indirect_dma source(%dma_start3A_290 : memref<1003520x64xf32, #tpu.memory_space<hbm>>) target(%dma_start3A_286 : memref<128x64xf32, #tpu.memory_space<vmem>>) offsets(%dma_start3A_287 : memref<128xi32, #tpu.memory_space<vmem>>) semaphore(%arg9 : memref<!tpu.dma_semaphore, #tpu.memory_space<semaphore_mem>>)
        %add3A_291 = arith.constant 128 : i32
        %add3A_292 = arith.addi %mul3A_281, %add3A_291 : i32
        %dma_start3A_293 = arith.constant 128 : i32
        %dma_start3A_294 = arith.constant 0 : i32
        %dma_start3A_295 = tpu.memref_slice %arg7[%dma_start3A_293, %dma_start3A_294] : memref<512x64xf32, #tpu.memory_space<vmem>> -> memref<128x64xf32, #tpu.memory_space<vmem>>
        %dma_start3A_296 = tpu.memref_slice %arg5[%add3A_292] : memref<10240xi32, #tpu.memory_space<vmem>> -> memref<128xi32, #tpu.memory_space<vmem>>
        %dma_start3A_297 = arith.constant 0 : i32
        %dma_start3A_298 = arith.constant 0 : i32
        %dma_start3A_299 = tpu.memref_slice %arg3[%dma_start3A_297, %dma_start3A_298] : memref<1003520x64xf32, #tpu.memory_space<hbm>> -> memref<1003520x64xf32, #tpu.memory_space<hbm>>
        tpu.enqueue_indirect_dma source(%dma_start3A_299 : memref<1003520x64xf32, #tpu.memory_space<hbm>>) target(%dma_start3A_295 : memref<128x64xf32, #tpu.memory_space<vmem>>) offsets(%dma_start3A_296 : memref<128xi32, #tpu.memory_space<vmem>>) semaphore(%arg9 : memref<!tpu.dma_semaphore, #tpu.memory_space<semaphore_mem>>)
        %add3A_300 = arith.constant 256 : i32
        %add3A_301 = arith.addi %mul3A_281, %add3A_300 : i32
        %dma_start3A_302 = arith.constant 256 : i32
        %dma_start3A_303 = arith.constant 0 : i32
        %dma_start3A_304 = tpu.memref_slice %arg7[%dma_start3A_302, %dma_start3A_303] : memref<512x64xf32, #tpu.memory_space<vmem>> -> memref<128x64xf32, #tpu.memory_space<vmem>>
        %dma_start3A_305 = tpu.memref_slice %arg5[%add3A_301] : memref<10240xi32, #tpu.memory_space<vmem>> -> memref<128xi32, #tpu.memory_space<vmem>>
        %dma_start3A_306 = arith.constant 0 : i32
        %dma_start3A_307 = arith.constant 0 : i32
        %dma_start3A_308 = tpu.memref_slice %arg3[%dma_start3A_306, %dma_start3A_307] : memref<1003520x64xf32, #tpu.memory_space<hbm>> -> memref<1003520x64xf32, #tpu.memory_space<hbm>>
        tpu.enqueue_indirect_dma source(%dma_start3A_308 : memref<1003520x64xf32, #tpu.memory_space<hbm>>) target(%dma_start3A_304 : memref<128x64xf32, #tpu.memory_space<vmem>>) offsets(%dma_start3A_305 : memref<128xi32, #tpu.memory_space<vmem>>) semaphore(%arg9 : memref<!tpu.dma_semaphore, #tpu.memory_space<semaphore_mem>>)
        %add3A_309 = arith.constant 384 : i32
        %add3A_310 = arith.addi %mul3A_281, %add3A_309 : i32
        %dma_start3A_311 = arith.constant 384 : i32
        %dma_start3A_312 = arith.constant 0 : i32
        %dma_start3A_313 = tpu.memref_slice %arg7[%dma_start3A_311, %dma_start3A_312] : memref<512x64xf32, #tpu.memory_space<vmem>> -> memref<128x64xf32, #tpu.memory_space<vmem>>
        %dma_start3A_314 = tpu.memref_slice %arg5[%add3A_310] : memref<10240xi32, #tpu.memory_space<vmem>> -> memref<128xi32, #tpu.memory_space<vmem>>
        %dma_start3A_315 = arith.constant 0 : i32
        %dma_start3A_316 = arith.constant 0 : i32
        %dma_start3A_317 = tpu.memref_slice %arg3[%dma_start3A_315, %dma_start3A_316] : memref<1003520x64xf32, #tpu.memory_space<hbm>> -> memref<1003520x64xf32, #tpu.memory_space<hbm>>
        tpu.enqueue_indirect_dma source(%dma_start3A_317 : memref<1003520x64xf32, #tpu.memory_space<hbm>>) target(%dma_start3A_313 : memref<128x64xf32, #tpu.memory_space<vmem>>) offsets(%dma_start3A_314 : memref<128xi32, #tpu.memory_space<vmem>>) semaphore(%arg9 : memref<!tpu.dma_semaphore, #tpu.memory_space<semaphore_mem>>)
      } else {
      }
      %dma_start3A_239 = arith.constant 0 : i32
      %dma_start3A_240 = tpu.memref_slice %arg4[%add3A_220, %mul3A_2, %dma_start3A_239] : memref<20x16384x64xf32, #tpu.memory_space<hbm>> -> memref<1x512x64xf32, #tpu.memory_space<hbm>>
      %dma_start3A_241 = tpu.memref_squeeze %dma_start3A_240 : memref<1x512x64xf32, #tpu.memory_space<hbm>> -> memref<512x64xf32, #tpu.memory_space<hbm>>
      %dma_start3A_242 = arith.constant 0 : i32
      %dma_start3A_243 = tpu.memref_slice %arg4[%add3A_220, %mul3A_2, %dma_start3A_242] : memref<20x16384x64xf32, #tpu.memory_space<hbm>> -> memref<1x512x64xf32, #tpu.memory_space<hbm>>
      %dma_start3A_244 = tpu.memref_squeeze %dma_start3A_243 : memref<1x512x64xf32, #tpu.memory_space<hbm>> -> memref<512x64xf32, #tpu.memory_space<hbm>>
      tpu.enqueue_dma source(%arg6 : memref<512x64xf32, #tpu.memory_space<vmem>>) target(%dma_start3A_244 : memref<512x64xf32, #tpu.memory_space<hbm>>) target_semaphore(%arg10 : memref<!tpu.dma_semaphore, #tpu.memory_space<semaphore_mem>>)
      %mul3A_245 = arith.constant 2 : i32
      %mul3A_246 = arith.muli %mul3A_245, %scan3A_216 : i32
      %add3A_247 = arith.constant 1 : i32
      %add3A_248 = arith.addi %mul3A_246, %add3A_247 : i32
      %dma_wait3A_249 = arith.constant 0 : i32
      %dma_wait3A_250 = arith.constant 0 : i32
      %dma_wait3A_251 = tpu.memref_slice %arg3[%dma_wait3A_249, %dma_wait3A_250] : memref<1003520x64xf32, #tpu.memory_space<hbm>> -> memref<512x64xf32, #tpu.memory_space<hbm>>
      %dma_wait3A_252 = arith.constant 0 : i32
      %dma_wait3A_253 = arith.constant 0 : i32
      %dma_wait3A_254 = tpu.memref_slice %arg3[%dma_wait3A_252, %dma_wait3A_253] : memref<1003520x64xf32, #tpu.memory_space<hbm>> -> memref<512x64xf32, #tpu.memory_space<hbm>>
      tpu.wait_dma2 semaphore(%arg9 : memref<!tpu.dma_semaphore, #tpu.memory_space<semaphore_mem>>) src(%dma_wait3A_254 : memref<512x64xf32, #tpu.memory_space<hbm>>) dst(%arg7 : memref<512x64xf32, #tpu.memory_space<vmem>>)
      %ge3A_255 = arith.constant 1 : i32
      %ge3A_256 = arith.cmpi sge, %add3A_248, %ge3A_255 : i32
      %add3A_257 = arith.constant 1 : i32
      %add3A_258 = arith.addi %add3A_248, %add3A_257 : i32
      %lt3A_259 = arith.constant 20 : i32
      %lt3A_260 = arith.cmpi slt, %add3A_258, %lt3A_259 : i32
      %and3A_261 = arith.andi %ge3A_256, %lt3A_260 : i1
      %convert_element_type3A_262 = arith.extui %and3A_261 : i1 to i32
      %cond3A_263 = arith.constant 0 : i32
      %cond3A_264 = arith.cmpi ne, %convert_element_type3A_262, %cond3A_263 : i32
      scf.if %cond3A_264 {
        %dma_wait3A_278 = arith.constant 0 : i32
        %dma_wait3A_279 = arith.constant 0 : i32
        %dma_wait3A_280 = tpu.memref_slice %arg4[%dma_wait3A_278, %mul3A_2, %dma_wait3A_279] : memref<20x16384x64xf32, #tpu.memory_space<hbm>> -> memref<1x512x64xf32, #tpu.memory_space<hbm>>
        %dma_wait3A_281 = tpu.memref_squeeze %dma_wait3A_280 : memref<1x512x64xf32, #tpu.memory_space<hbm>> -> memref<512x64xf32, #tpu.memory_space<hbm>>
        %dma_wait3A_282 = arith.constant 0 : i32
        %dma_wait3A_283 = tpu.memref_slice %arg4[%dma_wait3A_278, %mul3A_2, %dma_wait3A_282] : memref<20x16384x64xf32, #tpu.memory_space<hbm>> -> memref<1x512x64xf32, #tpu.memory_space<hbm>>
        %dma_wait3A_284 = tpu.memref_squeeze %dma_wait3A_283 : memref<1x512x64xf32, #tpu.memory_space<hbm>> -> memref<512x64xf32, #tpu.memory_space<hbm>>
        tpu.wait_dma2 semaphore(%arg10 : memref<!tpu.dma_semaphore, #tpu.memory_space<semaphore_mem>>) src(%arg6 : memref<512x64xf32, #tpu.memory_space<vmem>>) dst(%dma_wait3A_284 : memref<512x64xf32, #tpu.memory_space<hbm>>)
      } else {
      }
      %add3A_265 = arith.constant 1 : i32
      %add3A_266 = arith.addi %add3A_248, %add3A_265 : i32
      %lt3A_267 = arith.constant 20 : i32
      %lt3A_268 = arith.cmpi slt, %add3A_266, %lt3A_267 : i32
      %convert_element_type3A_269 = arith.extui %lt3A_268 : i1 to i32
      %cond3A_270 = arith.constant 0 : i32
      %cond3A_271 = arith.cmpi ne, %convert_element_type3A_269, %cond3A_270 : i32
      scf.if %cond3A_271 {
        %add3A_278 = arith.constant 1 : i32
        %add3A_279 = arith.addi %add3A_248, %add3A_278 : i32
        %mul3A_280 = arith.constant 512 : i32
        %mul3A_281 = arith.muli %add3A_279, %mul3A_280 : i32
        %add3A_282 = arith.constant 0 : i32
        %add3A_283 = arith.addi %mul3A_281, %add3A_282 : i32
        %dma_start3A_284 = arith.constant 0 : i32
        %dma_start3A_285 = arith.constant 0 : i32
        %dma_start3A_286 = tpu.memref_slice %arg6[%dma_start3A_284, %dma_start3A_285] : memref<512x64xf32, #tpu.memory_space<vmem>> -> memref<128x64xf32, #tpu.memory_space<vmem>>
        %dma_start3A_287 = tpu.memref_slice %arg5[%add3A_283] : memref<10240xi32, #tpu.memory_space<vmem>> -> memref<128xi32, #tpu.memory_space<vmem>>
        %dma_start3A_288 = arith.constant 0 : i32
        %dma_start3A_289 = arith.constant 0 : i32
        %dma_start3A_290 = tpu.memref_slice %arg3[%dma_start3A_288, %dma_start3A_289] : memref<1003520x64xf32, #tpu.memory_space<hbm>> -> memref<1003520x64xf32, #tpu.memory_space<hbm>>
        tpu.enqueue_indirect_dma source(%dma_start3A_290 : memref<1003520x64xf32, #tpu.memory_space<hbm>>) target(%dma_start3A_286 : memref<128x64xf32, #tpu.memory_space<vmem>>) offsets(%dma_start3A_287 : memref<128xi32, #tpu.memory_space<vmem>>) semaphore(%arg8 : memref<!tpu.dma_semaphore, #tpu.memory_space<semaphore_mem>>)
        %add3A_291 = arith.constant 128 : i32
        %add3A_292 = arith.addi %mul3A_281, %add3A_291 : i32
        %dma_start3A_293 = arith.constant 128 : i32
        %dma_start3A_294 = arith.constant 0 : i32
        %dma_start3A_295 = tpu.memref_slice %arg6[%dma_start3A_293, %dma_start3A_294] : memref<512x64xf32, #tpu.memory_space<vmem>> -> memref<128x64xf32, #tpu.memory_space<vmem>>
        %dma_start3A_296 = tpu.memref_slice %arg5[%add3A_292] : memref<10240xi32, #tpu.memory_space<vmem>> -> memref<128xi32, #tpu.memory_space<vmem>>
        %dma_start3A_297 = arith.constant 0 : i32
        %dma_start3A_298 = arith.constant 0 : i32
        %dma_start3A_299 = tpu.memref_slice %arg3[%dma_start3A_297, %dma_start3A_298] : memref<1003520x64xf32, #tpu.memory_space<hbm>> -> memref<1003520x64xf32, #tpu.memory_space<hbm>>
        tpu.enqueue_indirect_dma source(%dma_start3A_299 : memref<1003520x64xf32, #tpu.memory_space<hbm>>) target(%dma_start3A_295 : memref<128x64xf32, #tpu.memory_space<vmem>>) offsets(%dma_start3A_296 : memref<128xi32, #tpu.memory_space<vmem>>) semaphore(%arg8 : memref<!tpu.dma_semaphore, #tpu.memory_space<semaphore_mem>>)
        %add3A_300 = arith.constant 256 : i32
        %add3A_301 = arith.addi %mul3A_281, %add3A_300 : i32
        %dma_start3A_302 = arith.constant 256 : i32
        %dma_start3A_303 = arith.constant 0 : i32
        %dma_start3A_304 = tpu.memref_slice %arg6[%dma_start3A_302, %dma_start3A_303] : memref<512x64xf32, #tpu.memory_space<vmem>> -> memref<128x64xf32, #tpu.memory_space<vmem>>
        %dma_start3A_305 = tpu.memref_slice %arg5[%add3A_301] : memref<10240xi32, #tpu.memory_space<vmem>> -> memref<128xi32, #tpu.memory_space<vmem>>
        %dma_start3A_306 = arith.constant 0 : i32
        %dma_start3A_307 = arith.constant 0 : i32
        %dma_start3A_308 = tpu.memref_slice %arg3[%dma_start3A_306, %dma_start3A_307] : memref<1003520x64xf32, #tpu.memory_space<hbm>> -> memref<1003520x64xf32, #tpu.memory_space<hbm>>
        tpu.enqueue_indirect_dma source(%dma_start3A_308 : memref<1003520x64xf32, #tpu.memory_space<hbm>>) target(%dma_start3A_304 : memref<128x64xf32, #tpu.memory_space<vmem>>) offsets(%dma_start3A_305 : memref<128xi32, #tpu.memory_space<vmem>>) semaphore(%arg8 : memref<!tpu.dma_semaphore, #tpu.memory_space<semaphore_mem>>)
        %add3A_309 = arith.constant 384 : i32
        %add3A_310 = arith.addi %mul3A_281, %add3A_309 : i32
        %dma_start3A_311 = arith.constant 384 : i32
        %dma_start3A_312 = arith.constant 0 : i32
        %dma_start3A_313 = tpu.memref_slice %arg6[%dma_start3A_311, %dma_start3A_312] : memref<512x64xf32, #tpu.memory_space<vmem>> -> memref<128x64xf32, #tpu.memory_space<vmem>>
        %dma_start3A_314 = tpu.memref_slice %arg5[%add3A_310] : memref<10240xi32, #tpu.memory_space<vmem>> -> memref<128xi32, #tpu.memory_space<vmem>>
        %dma_start3A_315 = arith.constant 0 : i32
        %dma_start3A_316 = arith.constant 0 : i32
        %dma_start3A_317 = tpu.memref_slice %arg3[%dma_start3A_315, %dma_start3A_316] : memref<1003520x64xf32, #tpu.memory_space<hbm>> -> memref<1003520x64xf32, #tpu.memory_space<hbm>>
        tpu.enqueue_indirect_dma source(%dma_start3A_317 : memref<1003520x64xf32, #tpu.memory_space<hbm>>) target(%dma_start3A_313 : memref<128x64xf32, #tpu.memory_space<vmem>>) offsets(%dma_start3A_314 : memref<128xi32, #tpu.memory_space<vmem>>) semaphore(%arg8 : memref<!tpu.dma_semaphore, #tpu.memory_space<semaphore_mem>>)
      } else {
      }
      %dma_start3A_272 = arith.constant 0 : i32
      %dma_start3A_273 = tpu.memref_slice %arg4[%add3A_248, %mul3A_2, %dma_start3A_272] : memref<20x16384x64xf32, #tpu.memory_space<hbm>> -> memref<1x512x64xf32, #tpu.memory_space<hbm>>
      %dma_start3A_274 = tpu.memref_squeeze %dma_start3A_273 : memref<1x512x64xf32, #tpu.memory_space<hbm>> -> memref<512x64xf32, #tpu.memory_space<hbm>>
      %dma_start3A_275 = arith.constant 0 : i32
      %dma_start3A_276 = tpu.memref_slice %arg4[%add3A_248, %mul3A_2, %dma_start3A_275] : memref<20x16384x64xf32, #tpu.memory_space<hbm>> -> memref<1x512x64xf32, #tpu.memory_space<hbm>>
      %dma_start3A_277 = tpu.memref_squeeze %dma_start3A_276 : memref<1x512x64xf32, #tpu.memory_space<hbm>> -> memref<512x64xf32, #tpu.memory_space<hbm>>
      tpu.enqueue_dma source(%arg7 : memref<512x64xf32, #tpu.memory_space<vmem>>) target(%dma_start3A_277 : memref<512x64xf32, #tpu.memory_space<hbm>>) target_semaphore(%arg11 : memref<!tpu.dma_semaphore, #tpu.memory_space<semaphore_mem>>)
    }
    %scan3A_201 = arith.constant 10 : i32
    %dma_wait3A_202 = arith.constant 0 : i32
    %dma_wait3A_203 = arith.constant 0 : i32
    %dma_wait3A_204 = tpu.memref_slice %arg4[%dma_wait3A_202, %mul3A_2, %dma_wait3A_203] : memref<20x16384x64xf32, #tpu.memory_space<hbm>> -> memref<1x512x64xf32, #tpu.memory_space<hbm>>
    %dma_wait3A_205 = tpu.memref_squeeze %dma_wait3A_204 : memref<1x512x64xf32, #tpu.memory_space<hbm>> -> memref<512x64xf32, #tpu.memory_space<hbm>>
    %dma_wait3A_206 = arith.constant 0 : i32
    %dma_wait3A_207 = tpu.memref_slice %arg4[%dma_wait3A_202, %mul3A_2, %dma_wait3A_206] : memref<20x16384x64xf32, #tpu.memory_space<hbm>> -> memref<1x512x64xf32, #tpu.memory_space<hbm>>
    %dma_wait3A_208 = tpu.memref_squeeze %dma_wait3A_207 : memref<1x512x64xf32, #tpu.memory_space<hbm>> -> memref<512x64xf32, #tpu.memory_space<hbm>>
    tpu.wait_dma2 semaphore(%arg10 : memref<!tpu.dma_semaphore, #tpu.memory_space<semaphore_mem>>) src(%arg6 : memref<512x64xf32, #tpu.memory_space<vmem>>) dst(%dma_wait3A_208 : memref<512x64xf32, #tpu.memory_space<hbm>>)
    %dma_wait3A_209 = arith.constant 0 : i32
    %dma_wait3A_210 = arith.constant 0 : i32
    %dma_wait3A_211 = tpu.memref_slice %arg4[%dma_wait3A_209, %mul3A_2, %dma_wait3A_210] : memref<20x16384x64xf32, #tpu.memory_space<hbm>> -> memref<1x512x64xf32, #tpu.memory_space<hbm>>
    %dma_wait3A_212 = tpu.memref_squeeze %dma_wait3A_211 : memref<1x512x64xf32, #tpu.memory_space<hbm>> -> memref<512x64xf32, #tpu.memory_space<hbm>>
    %dma_wait3A_213 = arith.constant 0 : i32
    %dma_wait3A_214 = tpu.memref_slice %arg4[%dma_wait3A_209, %mul3A_2, %dma_wait3A_213] : memref<20x16384x64xf32, #tpu.memory_space<hbm>> -> memref<1x512x64xf32, #tpu.memory_space<hbm>>
    %dma_wait3A_215 = tpu.memref_squeeze %dma_wait3A_214 : memref<1x512x64xf32, #tpu.memory_space<hbm>> -> memref<512x64xf32, #tpu.memory_space<hbm>>
    tpu.wait_dma2 semaphore(%arg11 : memref<!tpu.dma_semaphore, #tpu.memory_space<semaphore_mem>>) src(%arg7 : memref<512x64xf32, #tpu.memory_space<vmem>>) dst(%dma_wait3A_215 : memref<512x64xf32, #tpu.memory_space<hbm>>)
    return
  }
}

module attributes {stable_mosaic.version = 14 : i64} {
  func.func @tr(%arg0: i32, %arg1: memref<64x4096xf32, #tpu.memory_space<vmem>>, %arg2: memref<262144xf32, #tpu.memory_space<vmem>>) attributes {dimension_semantics = [#tpu.dimension_semantics<arbitrary>], iteration_bounds = array<i64: 245>, scalar_prefetch = 0 : i64, scratch_operands = 0 : i64, tpu.core_type = #tpu.core_type<tc>, window_params = [{transform_indices = @transform_0, window_bounds = array<i64: 64, 4096>}, {transform_indices = @transform_1, window_bounds = array<i64: 262144>}]} {
    %get3A = arith.constant 0 : index
    %get3A_0 = arith.constant 0 : index
    %get3A_1 = vector.load %arg1[%get3A, %get3A_0] : memref<64x4096xf32, #tpu.memory_space<vmem>>, vector<64x4096xf32>
    %transpose3A = tpu.transpose %get3A_1, [1, 0] : vector<64x4096xf32> -> vector<4096x64xf32>
    %slice3A = vector.extract_strided_slice %transpose3A {offsets = [0, 0], sizes = [2048, 64], strides = [1, 1]} : vector<4096x64xf32> to vector<2048x64xf32>
    %slice3A_2 = vector.extract_strided_slice %transpose3A {offsets = [2048, 0], sizes = [2048, 64], strides = [1, 1]} : vector<4096x64xf32> to vector<2048x64xf32>
    %concatenate3A = tpu.concatenate %slice3A, %slice3A_2 in 1 : vector<2048x64xf32>, vector<2048x64xf32> -> vector<2048x128xf32>
    %reshape3A = vector.shape_cast %concatenate3A : vector<2048x128xf32> to vector<262144xf32>
    %swap3A = arith.constant 0 : index
    %swap3A_3 = vector.load %arg2[%swap3A] : memref<262144xf32, #tpu.memory_space<vmem>>, vector<262144xf32>
    tpu.vector_store %arg2[%swap3A], %reshape3A {strides = array<i32>} : memref<262144xf32, #tpu.memory_space<vmem>>, vector<262144xf32>,
    return
  }
  func.func @transform_0(%arg0: i32) -> (i32, i32) {
    %c0_i32 = arith.constant 0 : i32
    %c0_i32_0 = arith.constant 0 : i32
    return %c0_i32, %arg0 : i32, i32
  }
  func.func @transform_1(%arg0: i32) -> i32 {
    %c0_i32 = arith.constant 0 : i32
    return %arg0 : i32
  }
}

</mosaic_0001>

<sc_bundles>
// kernel: kernel.4.cloned.1.call-start
scs
__scs_entry_jumppad:
0x0: {  	(pc) =	sbr.rel $0x88, $3  }
0x1: {  	(tag) =	ssettag $0x0;
	lr =	simm.s32 $0x1  }
0x2: {  	[smem:$0x3F9F] =	sst lr;
	_ =	strace $0xD0000000  }
0x3: {  	_ = 	snop  }
0x4: {  	_ = 	snop  }
0x5: {  	_ = 	snop  }
0x6: {  	_ = 	snop  }
0x7: {  	_ = 	snop  }
__scs_overlays_trampoline_lowered:
0x8: {  	[smem:$0x3FAE] =	sst s0  }
0x9: {  	[smem:$0x3FAF] =	sst s1  }
0xa: {  	[smem:$0x3FB0] =	sst s2  }
0xb: {  	[smem:$0x3FB1] =	sst s3  }
0xc: {  	[smem:$0x3FB2] =	sst s4  }
0xd: {  	[smem:$0x3FB3] =	sst s5  }
0xe: {  	[smem:$0x3FB4] =	sst s6  }
0xf: {  	[smem:$0x3FB5] =	sst s7  }
0x10: {  	[smem:$0x3FB6] =	sst s8  }
0x11: {  	[smem:$0x3FB7] =	sst s9;
	s0 =	simm.s32 @!p0 $0x0  }
0x12: {  	s1 =	sld [smem:$0x3F9D];
	s0 =	simm.s32 @p0 $0x1  }
0x13: {  	[smem:$0x3FB8] =	sst s0;
	s0 =	simm.s32 @!p1 $0x0  }
0x14: {  	s2 =	sld [smem:$0x3F9C];
	s0 =	simm.s32 @p1 $0x1  }
0x15: {  	[smem:$0x3FB9] =	sst s0;
	s0 =	simm.s32 @!p2 $0x0  }
0x16: {  	s3 =	sld [smem:$0x3FDB];
	s0 =	simm.s32 @p2 $0x1  }
0x17: {  	s4 =	simm.s32 $0x1BF5;
	[smem:$0x3FBB] =	sst s0  }
0x18: {  	s0 =	sld [smem:$0x3F9E];
	_ =	swait.ge [sflag:s4], $0x0  }
0x19: {  	s7 =	sld [smem:$0x3F9F]  }
0x1a: {  	s8 =	sadd.s32 $0xFFFFE003, lr  }
0x1b: {  	s9 =	sadd.s32 $0xFFFFFEF7, lr;
	s5 =	simm.s32 $0xFFFFFFFF;
	p2 =	slt.u32 s8, $0xFFFFF086  }
0x1c: {  	p1 =	slt.u32 s9, $0xF7A;
	s5 =	simm.s32 @!p2 $0x0  }
0x1d: {  	s5 =	simm.s32 @p1 $0x1;
	p0 =	seq.s32 s7, s2  }
0x1e: {  	s7 =	smul.u32 @!p0 $0xF7A, s2;
	p2 =	seq.s32 @!p0 s5, $0x0  }
0x1f: {  	s9 =	smul.u32 $0xF7A, s1;
	s8 =	simm.s32 @!p0 $0x1BF5;
	p2 =	por !p2, p0  }
0x20: {  	[sflag:s8] =	ssyncset.s32 @!p0 $0xFFFFF086;
	s6 =	sadd.s32 @!p0 s3, s7;
	s7 =	simm.s32 @!p0 $0x108  }
0x21: {  	s3 =	sadd.s32 s3, s9;
	s6 =	sadd.s32 @!p0 $0x88, s6;
	s7 =	simm.s32 @p2 $0x1082  }
0x22: {  	[simem:s7], [sflag:s8] =	dma.local @!p0 [hbm:s6], $0xF7A  }
0x23: {  	s9 =	sor.u32 $0xD0000000, s2;
	s6 =	simm.s32 $0x108;
	_ =	swait.ge @!p0 [sflag:s8], $0x0  }
0x24: {  	s3 =	sadd.s32 $0x88, s3;
	s6 =	simm.s32 @!p1 $0x1082;
	[sflag:s4] =	ssyncset.s32 $0xFFFFF086  }
0x25: {  	[simem:s6], [sflag:s4] =	dma.local [hbm:s3], $0xF7A  }
0x26: {  	[smem:$0x3F9F] =	sst s1;
	(tag) =	ssettag s2;
	_ =	strace s9  }
0x27: {  	s1 =	sld [smem:$0x3FAF]  }
0x28: {  	s2 =	sld [smem:$0x3FB0]  }
0x29: {  	s4 =	sld [smem:$0x3FB2]  }
0x2a: {  	p0 =	seq.s32 s5, $0x0;
	s5 =	sld [smem:$0x3FB3]  }
0x2b: {  	s6 =	sld [smem:$0x3FB4]  }
0x2c: {  	s7 =	sld [smem:$0x3FB5]  }
0x2d: {  	s3 =	simm.s32 $0x108;
	s8 =	sld [smem:$0x3FB6]  }
0x2e: {  	s3 =	simm.s32 @!p0 $0x1082;
	s9 =	sld [smem:$0x3FB7]  }
0x2f: {  	lr =	sadd.s32 s0, s3;
	s0 =	sld [smem:$0x3FAE]  }
0x30: {  	s3 =	sld [smem:$0x3FB1]  }
0x31: {  	[smem:$0x3FBA] =	sst s10  }
0x32: {  	s10 =	sld [smem:$0x3FB8];
	_ =	sdelay $0x3  }
0x33: {  	p0 =	seq.s32 s10, $0x1;
	s10 =	sld [smem:$0x3FBA];
	_ =	sdelay $0x3  }
0x34: {  	[smem:$0x3FBA] =	sst s10  }
0x35: {  	s10 =	sld [smem:$0x3FB9];
	_ =	sdelay $0x3  }
0x36: {  	p1 =	seq.s32 s10, $0x1;
	s10 =	sld [smem:$0x3FBA];
	_ =	sdelay $0x3  }
0x37: {  	[smem:$0x3FBA] =	sst s10  }
0x38: {  	s10 =	sld [smem:$0x3FBB]  }
0x39: {  	_ = 	snop;
	(pc) =	sbr.ind lr, $3  }
0x3a: {  	_ = 	snop  }
0x3b: {  	_ = 	snop  }
0x3c: {  	p2 =	seq.s32 s10, $0x1;
	s10 =	sld [smem:$0x3FBA]  }
0x3d: {  	_ =	shalt  }
0x3e: {  	_ =	shalt  }
0x3f: {  	_ =	shalt  }
0x40: {  	_ =	shalt  }
0x41: {  	_ =	shalt  }
0x42: {  	_ =	shalt  }
0x43: {  	_ =	shalt  }
0x44: {  	_ =	shalt  }
0x45: {  	_ =	shalt  }
0x46: {  	_ =	shalt  }
0x47: {  	_ =	shalt  }
0x48: {  	_ =	shalt  }
0x49: {  	_ =	shalt  }
0x4a: {  	_ =	shalt  }
0x4b: {  	_ =	shalt  }
0x4c: {  	_ =	shalt  }
0x4d: {  	_ =	shalt  }
0x4e: {  	_ =	shalt  }
0x4f: {  	_ =	shalt  }
0x50: {  	_ =	shalt  }
0x51: {  	_ =	shalt  }
0x52: {  	_ =	shalt  }
0x53: {  	_ =	shalt  }
0x54: {  	_ =	shalt  }
0x55: {  	_ =	shalt  }
0x56: {  	_ =	shalt  }
0x57: {  	_ =	shalt  }
0x58: {  	_ =	shalt  }
0x59: {  	_ =	shalt  }
0x5a: {  	_ =	shalt  }
0x5b: {  	_ =	shalt  }
0x5c: {  	_ =	shalt  }
0x5d: {  	_ =	shalt  }
0x5e: {  	_ =	shalt  }
0x5f: {  	_ =	shalt  }
0x60: {  	_ =	shalt  }
0x61: {  	_ =	shalt  }
0x62: {  	_ =	shalt  }
0x63: {  	_ =	shalt  }
0x64: {  	_ =	shalt  }
0x65: {  	_ =	shalt  }
0x66: {  	_ =	shalt  }
0x67: {  	_ =	shalt  }
0x68: {  	_ =	shalt  }
0x69: {  	_ =	shalt  }
0x6a: {  	_ =	shalt  }
0x6b: {  	_ =	shalt  }
0x6c: {  	_ =	shalt  }
0x6d: {  	_ =	shalt  }
0x6e: {  	_ =	shalt  }
0x6f: {  	_ =	shalt  }
0x70: {  	_ =	shalt  }
0x71: {  	_ =	shalt  }
0x72: {  	_ =	shalt  }
0x73: {  	_ =	shalt  }
0x74: {  	_ =	shalt  }
0x75: {  	_ =	shalt  }
0x76: {  	_ =	shalt  }
0x77: {  	_ =	shalt  }
0x78: {  	_ =	shalt  }
0x79: {  	_ =	shalt  }
0x7a: {  	_ =	shalt  }
0x7b: {  	_ =	shalt  }
0x7c: {  	_ =	shalt  }
0x7d: {  	_ =	shalt  }
0x7e: {  	_ =	shalt  }
0x7f: {  	_ =	shalt  }
0x80: {  	_ =	shalt  }
0x81: {  	_ =	shalt  }
0x82: {  	_ =	shalt  }
0x83: {  	_ =	shalt  }
0x84: {  	_ =	shalt  }
0x85: {  	_ =	shalt  }
0x86: {  	_ =	shalt  }
0x87: {  	_ =	shalt  }
.Lfunc_end0:
.L_simem_size_0:
called_computation.1_lowered:
.L_overlay_start_0:
0x88: {  	s2 =	sld [smem:$0x3FD9]  }
0x89: {  	s3 =	sld [smem:$0x3FFE];
	_ =	sdelay $0x1  }
0x8a: {  	s1 =	srdreg.scid  }
0x8b: {  	s0 =	sand.u32 $0x1, s1  }
0x8c: {  	s17 =	sshll.u32 s0, $0xA;
	s2 =	sadd.s32 s3, s2  }
0x8d: {  	s2 =	sadd.s32 s2, s17  }
0x8e: {  	[smem:$0x3FC6] =	sst s2  }
0x8f: {  	_ = 	snop  }
0x90: {  	s2 =	sld [smem:$0x3FD0];
	(tm) =	ssettm $0x1  }
0x91: {  	s18 =	sld [smem:$0x3FFB];
	_ =	sdelay $0x3  }
0x92: {  	_ =	strace s18  }
0x93: {  	s3 =	sld [smem:$0x3FFC];
	_ =	sdelay $0x3  }
0x94: {  	_ =	strace s3  }
0x95: {  	s3 =	sld [smem:$0x3FFD];
	_ =	sdelay $0x3  }
0x96: {  	_ =	strace s3  }
0x97: {  	_ =	strace $0x8FFFFFFF  }
0x98: {  	s19 =	sld [smem:$0x3FDB];
	_ =	sdelay $0x1  }
0x99: {  	s4 =	simm.s32 $_scs_section_size  }
0x9a: {  	s5 =	simm.s32 $_size__tile_overlayer_lowered;
	s6 =	simm.s32 $_tile_overlayer_lowered  }
0x9b: {  	s22 =	simm.s32 $0x1BFF;
	s21 =	sshll.u32 s6, $0x1;
	s3 =	sadd.s32 s4, s19  }
0x9c: {  	s7 =	simm.s32 $0x0;
	s20 =	sshll.u32 s5, $0x1;
	s5 =	sadd.s32 s21, s3  }
0x9d: {  	[timem:s7], [sflag:s22] =	dma.local [hbm:s5], s20  }
0x9e: {  	_ =	swait.ge [sflag:s22], s20  }
0x9f: {  	s4 =	ssub.s32 $0x0, s20;
	[sflag:s22] =	ssyncset.done $0x0  }
0xa0: {  	[sflag:s22] =	ssyncadd.s32 s4;
	_ =	sdelay $0x1  }
0xa1: {  	s23 =	simm.s32 $0x1B8B  }
0xa2: {  	_ =	swait.ge [sflag:s23], $0x1  }
0xa3: {  	[sflag:s23] =	ssyncset.done $0x0  }
0xa4: {  	s25 =	simm.s32 $0x1B8E;
	s24 =	sld [smem:$0x3FFE];
	[sflag:s23] =	ssyncadd.s32 $0xFFFFFFFF  }
0xa5: {  	s26 =	simm.s32 $execute0_lowered;
	[smem:$0x3FD2] =	sst s25  }
0xa6: {  	s5 =	sshll.u32 s26, $0x1;
	_ =	strace $0x80000046;
	[dreg:$0x1] =	wrdreg $0xFFFFFFFF  }
0xa7: {  	s28 =	simm.s32 $_size_execute0_lowered;
	s3 =	sadd.s32 s3, s5;
	[dreg:$0x0] =	wrdreg $0x0  }
0xa8: {  	s5 =	sshll.u32 s28, $0x1;
	[dreg:$0x2] =	wrdreg s3  }
0xa9: {  	[dreg:$0x3] =	wrdreg s5  }
0xaa: {  	[dreg:$0x4] =	wrdreg $0xC0  }
0xab: {  	_ =	task [dreg:s7], $0x5FFFF  }
0xac: {  	[dreg:$0x1] =	wrdreg $0xFFFFFFFF  }
0xad: {  	[dreg:$0x0] =	wrdreg $0x60  }
0xae: {  	[dreg:$0x2] =	wrdreg s24  }
0xaf: {  	[dreg:$0x3] =	wrdreg s2  }
0xb0: {  	[dreg:$0x4] =	wrdreg $0x9  }
0xb1: {  	_ =	task.clear_ibuf [dreg:s7], $0x5FFFF;
	_ =	strace $0x90000046  }
0xb2: {  	s29 =	simm.s32 $0x9;
	_ =	strace $0x80000048  }
0xb3: {  	_ =	swait.ge [sflag:s29], $0x1  }
0xb4: {  	[sflag:s29] =	ssyncadd.s32 $0xFFFFFFFF  }
0xb5: {  	_ =	strace $0x90000048  }
0xb6: {  	_ =	sfence  }
0xb7: {  	s30 =	sld [smem:$0x0];
	_ =	sdelay $0x2  }
0xb8: {  	s31 =	sshll.u32 s1, $0xD;
	s1 =	sshrl.u32 s1, $0x2  }
0xb9: {  	s3 =	sand.u32 $0x4000, s31;
	s1 =	sadd.s32 s1, s30  }
0xba: {  	s0 =	sor.u32 s3, s0;
	s1 =	sshll.u32 s1, $0x11  }
0xbb: {  	s0 =	sor.u32 s1, s0  }
0xbc: {  	s0 =	sadd.s32 $0x8F2B, s0  }
0xbd: {  	[sflag:s0] =	ssyncadd.remote.s32 $0x1  }
0xbe: {  	_ =	sfence.sel $0xFFFF  }
0xbf: {  	[dreg:$0x0] =	wrdreg $0xFFFFFFFF;
	(pc) =	sbr.abs _section_cstart, $3  }
0xc0: {  	[dreg:$0x1] =	wrdreg $0xFFFFFFFF  }
0xc1: {  	_ =	task.clear_ibuf [dreg:s7], $0x2FFFF;
	_ =	strace $0x9FFFFFFF  }
0xc2: {  	(tm) =	ssettm $0x7FFFFFFF  }
0xc3: {  	_ =	shalt  }
tec
execute0_lowered:
.L_overlay_start_1:
0x0: {  	(tag) =	ssettag $0x1  }
0x1: {  	s1 =	srdreg.scid  }
0x2: {  	s8 =	stileid.u32;
	s1 =	sand.u32 $0x1, s1  }
0x3: {  	s4 =	sshll.u32 s8, $0xA;
	s5 =	sshll.u32 s1, $0x9  }
0x4: {  	s5 =	sor.u32 s5, s4  }
0x5: {  	s0 =	rddreg [dreg:$0x0];
	s4 =	sshrl.u32 s5, $0x3  }
0x6: {  	s2 =	rddreg [dreg:$0x1];
	s3 =	simm.s32 $0x0;
	s7 =	sadd.s32 s4, s0  }
0x7: {  	[smem:$0x7FF] =	sst s3;
	s23 =	sadd.s32 $0x800, s7  }
0x8: {  	_ =	strace $0x80000047;
	s24 =	sadd.s32 $0x1000, s7;
	[dreg:$0x3] =	wrdreg s23  }
0x9: {  	s25 =	sadd.s32 $0x1800, s7;
	[dreg:$0x4] =	wrdreg s24  }
0xa: {  	s26 =	sadd.s32 $0x2000, s7;
	[dreg:$0x5] =	wrdreg s25  }
0xb: {  	s29 =	sadd.s32 $0x2800, s7;
	[dreg:$0x6] =	wrdreg s26  }
0xc: {  	s30 =	sadd.s32 $0x3000, s7;
	[dreg:$0x7] =	wrdreg s29  }
0xd: {  	s9 =	sadd.s32 $0x3800, s7;
	[dreg:$0x8] =	wrdreg s30  }
0xe: {  	s10 =	sadd.s32 $0x4000, s7;
	[dreg:$0x9] =	wrdreg s9  }
0xf: {  	s18 =	sshll.u32 s8, $0x10;
	s11 =	sadd.s32 $0x4800, s7;
	[dreg:$0xa] =	wrdreg s10  }
0x10: {  	s8 =	simm.s32 $0x80;
	s12 =	sadd.s32 $0x5000, s7;
	[dreg:$0xb] =	wrdreg s11  }
0x11: {  	s6 =	ssub.s32 $0x2, s1;
	s13 =	sadd.s32 $0x5800, s7;
	[dreg:$0xc] =	wrdreg s12  }
0x12: {  	s1 =	sshll.u32 s1, $0xF;
	s14 =	sadd.s32 $0x6000, s7;
	[dreg:$0xd] =	wrdreg s13  }
0x13: {  	s22 =	sshrl.u32 s6, $0x1;
	s15 =	sadd.s32 $0x6800, s7;
	[dreg:$0xe] =	wrdreg s14  }
0x14: {  	s1 =	sor.u32 s1, s18;
	s16 =	sadd.s32 $0x7000, s7;
	[dreg:$0xf] =	wrdreg s15  }
0x15: {  	s18 =	simm.s32 $0x3;
	s17 =	sadd.s32 $0x7800, s7;
	[dreg:$0x10] =	wrdreg s16  }
0x16: {  	s28 =	sor.u32 $0x200000, s1;
	s19 =	sadd.s32 $0x8000, s7;
	[dreg:$0x11] =	wrdreg s17  }
0x17: {  	s4 =	sadd.s32 $0xA800, s0;
	s20 =	sadd.s32 $0x8800, s7;
	[dreg:$0x12] =	wrdreg s19  }
0x18: {  	s0 =	ssub.s32 s6, s22;
	s21 =	sadd.s32 $0x9000, s7;
	[dreg:$0x13] =	wrdreg s20  }
0x19: {  	s6 =	simm.s32 $0x2600;
	s22 =	sadd.s32 $0x9800, s7;
	[dreg:$0x14] =	wrdreg s21  }
0x1a: {  	s0 =	smax.u32 s0, $0x1;
	[dreg:$0x15] =	wrdreg s22;
	s23 =	sadd.s32 $0xA000, s7  }
0x1b: {  	[dreg:$0x17] =	wrdreg s0;
	s24 =	sshll.u32 s5, $0x3;
	s25 =	sor.u32 $0x300000, s1  }
0x1c: {  	s5 =	simm.s32 $0x400;
	s7 =	simm.s32 $0x1;
	s9 =	simm.s32 $0x2800  }
0x1d: {  	s10 =	simm.s32 $0x4800;
	s11 =	simm.s32 $0x6800;
	s12 =	simm.s32 $0x8800  }
0x1e: {  	s13 =	simm.s32 $0xA800;
	s14 =	simm.s32 $0xC800;
	s15 =	simm.s32 $0xE800  }
0x1f: {  	s16 =	simm.s32 $0x10800;
	s17 =	simm.s32 $0x2;
	s19 =	simm.s32 $0x4  }
0x20: {  	s20 =	simm.s32 $0x0;
	s26 =	sadd.s32 s2, s24;
	s29 =	sshrl.u32 s25, $0x3  }
0x21: {  	[dreg:$0x16] =	wrdreg s23;
	s24 =	sadd.s32 s29, s2;
	s30 =	sadd.s32 $0x20000, s26  }
0x22: {  	s31 =	sadd.s32 $0x240000, s26;
	s0 =	sadd.s32 $0x260000, s26;
	[dreg:$0x18] =	wrdreg s30  }
.LBB2_1:
0x23: {  	s1 =	rddreg [dreg:$0x3]  }
0x24: {  	[tilespmem:s3], [sflag:$0x1] =	stream.linear.gather [hbm4b:s1+s3], $0x200, $0x38;
	[tilespmem:$0x12800] =	vst v63  }
0x25: {  	s23 =	rddreg [dreg:$0x4];
	s21 =	simm.s32 $0x200  }
0x26: {  	[tilespmem:s21], [sflag:$0x1] =	stream.linear.gather [hbm4b:s23+s3], $0x200, $0x38;
	[tilespmem:$0x12800] =	vst v63  }
0x27: {  	s25 =	rddreg [dreg:$0x5]  }
0x28: {  	[tilespmem:s5], [sflag:$0x1] =	stream.linear.gather [hbm4b:s25+s3], $0x200, $0x38;
	[tilespmem:$0x12800] =	vst v63  }
0x29: {  	s30 =	rddreg [dreg:$0x6];
	s22 =	simm.s32 $0x600  }
0x2a: {  	[tilespmem:s22], [sflag:$0x1] =	stream.linear.gather [hbm4b:s30+s3], $0x200, $0x38;
	[tilespmem:$0x12800] =	vst v63  }
0x2b: {  	s23 =	simm.s32 $0x800;
	s22 =	rddreg [dreg:$0x7]  }
0x2c: {  	[tilespmem:s23], [sflag:$0x1] =	stream.linear.gather [hbm4b:s22+s3], $0x200, $0x38;
	[tilespmem:$0x12800] =	vst v63  }
0x2d: {  	s25 =	rddreg [dreg:$0x8];
	s30 =	simm.s32 $0xA00  }
0x2e: {  	[tilespmem:s30], [sflag:$0x1] =	stream.linear.gather [hbm4b:s25+s3], $0x200, $0x38;
	[tilespmem:$0x12800] =	vst v63  }
0x2f: {  	s22 =	rddreg [dreg:$0x9];
	s23 =	simm.s32 $0xC00  }
0x30: {  	[tilespmem:s23], [sflag:$0x1] =	stream.linear.gather [hbm4b:s22+s3], $0x200, $0x38;
	[tilespmem:$0x12800] =	vst v63  }
0x31: {  	s25 =	rddreg [dreg:$0xa];
	s30 =	simm.s32 $0xE00  }
0x32: {  	[tilespmem:s30], [sflag:$0x1] =	stream.linear.gather [hbm4b:s25+s3], $0x200, $0x38;
	[tilespmem:$0x12800] =	vst v63  }
0x33: {  	s22 =	rddreg [dreg:$0xb];
	s23 =	simm.s32 $0x1000  }
0x34: {  	[tilespmem:s23], [sflag:$0x1] =	stream.linear.gather [hbm4b:s22+s3], $0x200, $0x38;
	[tilespmem:$0x12800] =	vst v63  }
0x35: {  	s25 =	rddreg [dreg:$0xc];
	s30 =	simm.s32 $0x1200  }
0x36: {  	[tilespmem:s30], [sflag:$0x1] =	stream.linear.gather [hbm4b:s25+s3], $0x200, $0x38;
	[tilespmem:$0x12800] =	vst v63  }
0x37: {  	s22 =	rddreg [dreg:$0xd];
	s23 =	simm.s32 $0x1400  }
0x38: {  	[tilespmem:s23], [sflag:$0x1] =	stream.linear.gather [hbm4b:s22+s3], $0x200, $0x38;
	[tilespmem:$0x12800] =	vst v63  }
0x39: {  	s25 =	rddreg [dreg:$0xe];
	s30 =	simm.s32 $0x1600  }
0x3a: {  	[tilespmem:s30], [sflag:$0x1] =	stream.linear.gather [hbm4b:s25+s3], $0x200, $0x38;
	[tilespmem:$0x12800] =	vst v63  }
0x3b: {  	s22 =	rddreg [dreg:$0xf];
	s23 =	simm.s32 $0x1800  }
0x3c: {  	[tilespmem:s23], [sflag:$0x1] =	stream.linear.gather [hbm4b:s22+s3], $0x200, $0x38;
	[tilespmem:$0x12800] =	vst v63  }
0x3d: {  	s25 =	rddreg [dreg:$0x10];
	s30 =	simm.s32 $0x1A00  }
0x3e: {  	[tilespmem:s30], [sflag:$0x1] =	stream.linear.gather [hbm4b:s25+s3], $0x200, $0x38;
	[tilespmem:$0x12800] =	vst v63  }
0x3f: {  	s22 =	rddreg [dreg:$0x11];
	s23 =	simm.s32 $0x1C00  }
0x40: {  	[tilespmem:s23], [sflag:$0x1] =	stream.linear.gather [hbm4b:s22+s3], $0x200, $0x38;
	[tilespmem:$0x12800] =	vst v63  }
0x41: {  	s25 =	rddreg [dreg:$0x12];
	s30 =	simm.s32 $0x1E00  }
0x42: {  	[tilespmem:s30], [sflag:$0x1] =	stream.linear.gather [hbm4b:s25+s3], $0x200, $0x38;
	[tilespmem:$0x12800] =	vst v63  }
0x43: {  	s22 =	rddreg [dreg:$0x13];
	s23 =	simm.s32 $0x2000  }
0x44: {  	[tilespmem:s23], [sflag:$0x1] =	stream.linear.gather [hbm4b:s22+s3], $0x200, $0x38;
	[tilespmem:$0x12800] =	vst v63  }
0x45: {  	s25 =	rddreg [dreg:$0x14];
	s30 =	simm.s32 $0x2200  }
0x46: {  	[tilespmem:s30], [sflag:$0x1] =	stream.linear.gather [hbm4b:s25+s3], $0x200, $0x38;
	[tilespmem:$0x12800] =	vst v63  }
0x47: {  	s23 =	rddreg [dreg:$0x15];
	s25 =	simm.s32 $0x2400  }
0x48: {  	[tilespmem:s25], [sflag:$0x1] =	stream.linear.gather [hbm4b:s23+s3], $0x200, $0x38;
	[tilespmem:$0x12800] =	vst v63  }
0x49: {  	s30 =	rddreg [dreg:$0x16]  }
0x4a: {  	[tilespmem:s6], [sflag:$0x1] =	stream.linear.gather [hbm4b:s30+s3], $0x200, $0x38;
	[tilespmem:$0x12800] =	vst v63  }
0x4b: {  	_ =	swait.ge [sflag:s7], $0x2800  }
0x4c: {  	[sflag:s7] =	ssyncset.done $0x0  }
0x4d: {  	[sflag:s7] =	ssyncadd.s32 $0xFFFFD800  }
0x4e: {  	[tilespmem:s9], [sflag:$0x1] =	stream.indirect.gather [hbm4b:s4+s8], $0x40, s3, s8, $0xb8;
	[tilespmem:$0x12800] =	vst v63  }
0x4f: {  	_ = 	snop  }
0x50: {  	[tilespmem:s10], [sflag:$0x1] =	stream.indirect.gather [hbm4b:s4+s8], $0x40, s8, s8, $0xb8;
	[tilespmem:$0x12800] =	vst v63  }
0x51: {  	s22 =	simm.s32 $0x100  }
0x52: {  	[tilespmem:s11], [sflag:$0x1] =	stream.indirect.gather [hbm4b:s4+s8], $0x40, s22, s8, $0xb8;
	[tilespmem:$0x12800] =	vst v63  }
0x53: {  	s23 =	simm.s32 $0x180  }
0x54: {  	[tilespmem:s12], [sflag:$0x1] =	stream.indirect.gather [hbm4b:s4+s8], $0x40, s23, s8, $0xb8;
	[tilespmem:$0x12800] =	vst v63  }
0x55: {  	_ =	swait.ge [sflag:s7], $0x8000  }
0x56: {  	[sflag:s7] =	ssyncset.done $0x0  }
0x57: {  	[sflag:s7] =	ssyncadd.s32 $0xFFFF8000  }
0x58: {  	[tilespmem:s13], [sflag:$0x2] =	stream.indirect.gather [hbm4b:s4+s8], $0x40, s21, s8, $0xb8;
	[tilespmem:$0x12800] =	vst v63  }
0x59: {  	s25 =	simm.s32 $0x280  }
0x5a: {  	[tilespmem:s14], [sflag:$0x2] =	stream.indirect.gather [hbm4b:s4+s8], $0x40, s25, s8, $0xb8;
	[tilespmem:$0x12800] =	vst v63  }
0x5b: {  	s30 =	simm.s32 $0x300  }
0x5c: {  	[tilespmem:s15], [sflag:$0x2] =	stream.indirect.gather [hbm4b:s4+s8], $0x40, s30, s8, $0xb8;
	[tilespmem:$0x12800] =	vst v63  }
0x5d: {  	s21 =	simm.s32 $0x380  }
0x5e: {  	[tilespmem:s16], [sflag:$0x2] =	stream.indirect.gather [hbm4b:s4+s8], $0x40, s21, s8, $0xb8;
	[tilespmem:$0x12800] =	vst v63  }
0x5f: {  	_ = 	snop  }
0x60: {  	[hbm4b:s26+s3] =	stream.linear.scatter [tilespmem:s9], [sflag:$0x3], $0x8000, $0x38;
	[tilespmem:$0x12800] =	vst v63  }
0x61: {  	_ =	swait.ge [sflag:s17], $0x8000  }
0x62: {  	[sflag:s17] =	ssyncset.done $0x0  }
0x63: {  	[sflag:s17] =	ssyncadd.s32 $0xFFFF8000  }
0x64: {  	_ =	swait.ge [sflag:s18], $0x8000  }
0x65: {  	[sflag:s18] =	ssyncset.done $0x0  }
0x66: {  	[sflag:s18] =	ssyncadd.s32 $0xFFFF8000  }
0x67: {  	[tilespmem:s9], [sflag:$0x1] =	stream.indirect.gather [hbm4b:s4+s8], $0x40, s5, s8, $0xb8;
	[tilespmem:$0x12800] =	vst v63  }
0x68: {  	s22 =	simm.s32 $0x480  }
0x69: {  	[tilespmem:s10], [sflag:$0x1] =	stream.indirect.gather [hbm4b:s4+s8], $0x40, s22, s8, $0xb8;
	[tilespmem:$0x12800] =	vst v63  }
0x6a: {  	s23 =	simm.s32 $0x500  }
0x6b: {  	[tilespmem:s11], [sflag:$0x1] =	stream.indirect.gather [hbm4b:s4+s8], $0x40, s23, s8, $0xb8;
	[tilespmem:$0x12800] =	vst v63  }
0x6c: {  	s25 =	simm.s32 $0x580  }
0x6d: {  	[tilespmem:s12], [sflag:$0x1] =	stream.indirect.gather [hbm4b:s4+s8], $0x40, s25, s8, $0xb8;
	[tilespmem:$0x12800] =	vst v63  }
0x6e: {  	s30 =	rddreg [dreg:$0x18]  }
0x6f: {  	[hbm4b:s30+s3] =	stream.linear.scatter [tilespmem:s13], [sflag:$0x4], $0x8000, $0x38;
	[tilespmem:$0x12800] =	vst v63  }
0x70: {  	_ =	swait.ge [sflag:s7], $0x8000  }
0x71: {  	[sflag:s7] =	ssyncset.done $0x0  }
0x72: {  	[sflag:s7] =	ssyncadd.s32 $0xFFFF8000  }
0x73: {  	_ =	swait.ge [sflag:s19], $0x8000  }
0x74: {  	[sflag:s19] =	ssyncset.done $0x0  }
0x75: {  	s1 =	simm.s32 $0x600;
	[sflag:s19] =	ssyncadd.s32 $0xFFFF8000  }
0x76: {  	[tilespmem:s13], [sflag:$0x2] =	stream.indirect.gather [hbm4b:s4+s8], $0x40, s1, s8, $0xb8;
	[tilespmem:$0x12800] =	vst v63  }
0x77: {  	s22 =	simm.s32 $0x680  }
0x78: {  	[tilespmem:s14], [sflag:$0x2] =	stream.indirect.gather [hbm4b:s4+s8], $0x40, s22, s8, $0xb8;
	[tilespmem:$0x12800] =	vst v63  }
0x79: {  	s23 =	simm.s32 $0x700  }
0x7a: {  	[tilespmem:s15], [sflag:$0x2] =	stream.indirect.gather [hbm4b:s4+s8], $0x40, s23, s8, $0xb8;
	[tilespmem:$0x12800] =	vst v63  }
0x7b: {  	s25 =	simm.s32 $0x780;
	s30 =	sshrl.u32 s28, $0x3  }
0x7c: {  	[tilespmem:s16], [sflag:$0x2] =	stream.indirect.gather [hbm4b:s4+s8], $0x40, s25, s8, $0xb8;
	[tilespmem:$0x12800] =	vst v63  }
0x7d: {  	s1 =	sadd.s32 s2, s30  }
0x7e: {  	[hbm4b:s1+s3] =	stream.linear.scatter [tilespmem:s9], [sflag:$0x3], $0x8000, $0x38;
	[tilespmem:$0x12800] =	vst v63  }
0x7f: {  	_ =	swait.ge [sflag:s17], $0x8000  }
0x80: {  	[sflag:s17] =	ssyncset.done $0x0  }
0x81: {  	[sflag:s17] =	ssyncadd.s32 $0xFFFF8000  }
0x82: {  	_ =	swait.ge [sflag:s18], $0x8000  }
0x83: {  	[sflag:s18] =	ssyncset.done $0x0  }
0x84: {  	s22 =	simm.s32 $0x800;
	[sflag:s18] =	ssyncadd.s32 $0xFFFF8000  }
0x85: {  	[tilespmem:s9], [sflag:$0x1] =	stream.indirect.gather [hbm4b:s4+s8], $0x40, s22, s8, $0xb8;
	[tilespmem:$0x12800] =	vst v63  }
0x86: {  	s23 =	simm.s32 $0x880  }
0x87: {  	[tilespmem:s10], [sflag:$0x1] =	stream.indirect.gather [hbm4b:s4+s8], $0x40, s23, s8, $0xb8;
	[tilespmem:$0x12800] =	vst v63  }
0x88: {  	s29 =	smov.u32 s24;
	s21 =	simm.s32 $0x1000;
	s25 =	simm.s32 $0x900  }
0x89: {  	[tilespmem:s11], [sflag:$0x1] =	stream.indirect.gather [hbm4b:s4+s8], $0x40, s25, s8, $0xb8;
	[tilespmem:$0x12800] =	vst v63  }
0x8a: {  	s30 =	simm.s32 $0x980;
	s22 =	sadd.s32 $0x200000, s28;
	s23 =	sadd.s32 $0x40000, s24  }
0x8b: {  	[tilespmem:s12], [sflag:$0x1] =	stream.indirect.gather [hbm4b:s4+s8], $0x40, s30, s8, $0xb8;
	[tilespmem:$0x12800] =	vst v63  }
.LBB2_2:
0x8c: {  	[hbm4b:s29+s3] =	stream.linear.scatter [tilespmem:s13], [sflag:$0x4], $0x8000, $0x38;
	[tilespmem:$0x12800] =	vst v63  }
0x8d: {  	s25 =	smov.u32 s21;
	s29 =	smov.u32 s23  }
0x8e: {  	p0 =	sne.s32 s21, $0x7000;
	s21 =	sadd.s32 $0x1000, s21;
	_ =	swait.ge [sflag:s7], $0x8000  }
0x8f: {  	[sflag:s7] =	ssyncset.done $0x0  }
0x90: {  	[sflag:s7] =	ssyncadd.s32 $0xFFFF8000  }
0x91: {  	_ =	swait.ge [sflag:s19], $0x8000  }
0x92: {  	s25 =	sshra.s32 s25, $0x2;
	[sflag:s19] =	ssyncset.done $0x0  }
0x93: {  	s1 =	sadd.s32 $0x600, s25;
	[sflag:s19] =	ssyncadd.s32 $0xFFFF8000  }
0x94: {  	[tilespmem:s13], [sflag:$0x2] =	stream.indirect.gather [hbm4b:s4+s8], $0x40, s1, s8, $0xb8;
	[tilespmem:$0x12800] =	vst v63  }
0x95: {  	s1 =	sadd.s32 $0x680, s25  }
0x96: {  	[tilespmem:s14], [sflag:$0x2] =	stream.indirect.gather [hbm4b:s4+s8], $0x40, s1, s8, $0xb8;
	[tilespmem:$0x12800] =	vst v63  }
0x97: {  	s1 =	sadd.s32 $0x700, s25  }
0x98: {  	[tilespmem:s15], [sflag:$0x2] =	stream.indirect.gather [hbm4b:s4+s8], $0x40, s1, s8, $0xb8;
	[tilespmem:$0x12800] =	vst v63  }
0x99: {  	s30 =	sshrl.u32 s22, $0x3;
	s1 =	sadd.s32 $0x780, s25  }
0x9a: {  	[tilespmem:s16], [sflag:$0x2] =	stream.indirect.gather [hbm4b:s4+s8], $0x40, s1, s8, $0xb8;
	[tilespmem:$0x12800] =	vst v63  }
0x9b: {  	s1 =	sadd.s32 s2, s30  }
0x9c: {  	[hbm4b:s1+s3] =	stream.linear.scatter [tilespmem:s9], [sflag:$0x3], $0x8000, $0x38;
	[tilespmem:$0x12800] =	vst v63  }
0x9d: {  	_ =	swait.ge [sflag:s17], $0x8000  }
0x9e: {  	[sflag:s17] =	ssyncset.done $0x0  }
0x9f: {  	[sflag:s17] =	ssyncadd.s32 $0xFFFF8000  }
0xa0: {  	_ =	swait.ge [sflag:s18], $0x8000  }
0xa1: {  	[sflag:s18] =	ssyncset.done $0x0  }
0xa2: {  	s1 =	sadd.s32 $0x800, s25;
	[sflag:s18] =	ssyncadd.s32 $0xFFFF8000  }
0xa3: {  	[tilespmem:s9], [sflag:$0x1] =	stream.indirect.gather [hbm4b:s4+s8], $0x40, s1, s8, $0xb8;
	[tilespmem:$0x12800] =	vst v63  }
0xa4: {  	s1 =	sadd.s32 $0x880, s25  }
0xa5: {  	[tilespmem:s10], [sflag:$0x1] =	stream.indirect.gather [hbm4b:s4+s8], $0x40, s1, s8, $0xb8;
	[tilespmem:$0x12800] =	vst v63  }
.Ltmp0:
0xa6: {  	s1 =	sadd.s32 $0x900, s25;
	(pc) =	sbr.rel @p0 .LBB2_2-.Ltmp0, $4  }
0xa7: {  	[tilespmem:s11], [sflag:$0x1] =	stream.indirect.gather [hbm4b:s4+s8], $0x40, s1, s8, $0xb8;
	[tilespmem:$0x12800] =	vst v63  }
0xa8: {  	s1 =	sadd.s32 $0x980, s25  }
0xa9: {  	[tilespmem:s12], [sflag:$0x1] =	stream.indirect.gather [hbm4b:s4+s8], $0x40, s1, s8, $0xb8;
	[tilespmem:$0x12800] =	vst v63  }
0xaa: {  	s22 =	sadd.s32 $0x200000, s22;
	s23 =	sadd.s32 $0x40000, s23  }
0xab: {  	[hbm4b:s29+s3] =	stream.linear.scatter [tilespmem:s13], [sflag:$0x4], $0x8000, $0x38;
	[tilespmem:$0x12800] =	vst v63  }
0xac: {  	_ =	swait.ge [sflag:s7], $0x8000  }
0xad: {  	[sflag:s7] =	ssyncset.done $0x0  }
0xae: {  	[sflag:s7] =	ssyncadd.s32 $0xFFFF8000  }
0xaf: {  	_ =	swait.ge [sflag:s19], $0x8000  }
0xb0: {  	[sflag:s19] =	ssyncset.done $0x0  }
0xb1: {  	[sflag:s19] =	ssyncadd.s32 $0xFFFF8000  }
0xb2: {  	[tilespmem:s13], [sflag:$0x2] =	stream.indirect.gather [hbm4b:s4+s8], $0x40, s6, s8, $0xb8;
	[tilespmem:$0x12800] =	vst v63  }
0xb3: {  	s1 =	simm.s32 $0x2680  }
0xb4: {  	[tilespmem:s14], [sflag:$0x2] =	stream.indirect.gather [hbm4b:s4+s8], $0x40, s1, s8, $0xb8;
	[tilespmem:$0x12800] =	vst v63  }
0xb5: {  	s25 =	simm.s32 $0x2700  }
0xb6: {  	[tilespmem:s15], [sflag:$0x2] =	stream.indirect.gather [hbm4b:s4+s8], $0x40, s25, s8, $0xb8;
	[tilespmem:$0x12800] =	vst v63  }
0xb7: {  	s29 =	simm.s32 $0x2780  }
0xb8: {  	[tilespmem:s16], [sflag:$0x2] =	stream.indirect.gather [hbm4b:s4+s8], $0x40, s29, s8, $0xb8;
	[tilespmem:$0x12800] =	vst v63  }
0xb9: {  	_ = 	snop  }
0xba: {  	[hbm4b:s31+s3] =	stream.linear.scatter [tilespmem:s9], [sflag:$0x3], $0x8000, $0x38;
	[tilespmem:$0x12800] =	vst v63  }
0xbb: {  	_ =	swait.ge [sflag:s17], $0x8000  }
0xbc: {  	[sflag:s17] =	ssyncset.done $0x0  }
0xbd: {  	[sflag:s17] =	ssyncadd.s32 $0xFFFF8000  }
0xbe: {  	[hbm4b:s0+s3] =	stream.linear.scatter [tilespmem:s13], [sflag:$0x4], $0x8000, $0x38;
	[tilespmem:$0x12800] =	vst v63  }
0xbf: {  	_ =	swait.ge [sflag:s18], $0x8000  }
0xc0: {  	[sflag:s18] =	ssyncset.done $0x0  }
0xc1: {  	[sflag:s18] =	ssyncadd.s32 $0xFFFF8000  }
0xc2: {  	_ =	swait.ge [sflag:s19], $0x8000  }
0xc3: {  	s20 =	sadd.s32 $0x1, s20;
	s30 =	rddreg [dreg:$0x17]  }
0xc4: {  	p0 =	sne.s32 s20, s30  }
.Ltmp1:
0xc5: {  	_ = 	snop;
	(pc) =	sbr.rel @p0 .LBB2_1-.Ltmp1, $3  }
0xc6: {  	_ =	sdelay $0x1  }
0xc7: {  	[sflag:s19] =	ssyncset.done $0x0  }
0xc8: {  	[sflag:s19] =	ssyncadd.s32 $0xFFFF8000  }
0xc9: {  	_ =	sfence.sel $0x180000  }
0xca: {  	[bflag:$0x0] =	sbarrier.arrive $0xFFFF  }
0xcb: {  	_ =	strace $0x90000047  }
0xcc: {  	s0 =	stileid.u32;
	[bflag:$0x2] =	sbarrier.arrive $0xFFFF  }
0xcd: {  	p0 =	sne.s32 s0, $0x0;
	s0 =	rddreg [dreg:$0x2]  }
0xce: {  	s0 =	sadd.s32 @!p0 $0x100000, s0  }
0xcf: {  	[sflag:s0] =	ssyncadd.tile.s32 @!p0 $0x1;
	_ =	shalt  }
.Lfunc_end2:
_tile_overlayer_lowered:
.L_overlay_start_2:
0xd0: {  	(tag) =	ssettag $0x2  }
0xd1: {  	s0 =	rddreg [dreg:$0x0];
	s2 =	stileid.u32  }
0xd2: {  	s1 =	rddreg [dreg:$0x1];
	p0 =	sne.s32 s2, $0x0  }
0xd3: {  	s3 =	rddreg [dreg:$0x2];
	[bflag:$0x3] =	sbarrier.arrive $0xFFFF;
	s2 =	simm.s32 @!p0 $0x1C05  }
0xd4: {  	[timem:s3], [sflag:s2] =	dma.local @!p0 [hbm:s0], s1  }
0xd5: {  	s0 =	simm.s32 @!p0 $0x5  }
0xd6: {  	_ =	swait.ge @!p0 [sflag:s0], s1  }
0xd7: {  	s1 =	ssub.s32 @!p0 $0x0, s1;
	[sflag:s0] =	ssyncset.done @!p0 $0x0  }
0xd8: {  	[sflag:s0] =	ssyncadd.s32 @!p0 s1  }
0xd9: {  	[bflag:$0x3] =	sbarrier.arrive $0xFFFF  }
0xda: {  	_ =	shalt  }

// kernel: sparse-core-data-format-call.cloned.1.call-start
scs
called_computation_lowered:
.L_overlay_start_0:
0x0: {  	s2 =	sld [smem:$0x3FD9]  }
0x1: {  	s3 =	sld [smem:$0x3FFE];
	_ =	sdelay $0x1  }
0x2: {  	s1 =	srdreg.scid  }
0x3: {  	s0 =	sand.u32 $0x1, s1  }
0x4: {  	s18 =	sshll.u32 s0, $0xA;
	s2 =	sadd.s32 s3, s2  }
0x5: {  	s2 =	sadd.s32 s2, s18  }
0x6: {  	[smem:$0x3FC6] =	sst s2  }
0x7: {  	_ = 	snop  }
0x8: {  	s2 =	sld [smem:$0x3FD0];
	(tm) =	ssettm $0x1  }
0x9: {  	s19 =	sld [smem:$0x3FFB];
	_ =	sdelay $0x3  }
0xa: {  	_ =	strace s19  }
0xb: {  	s3 =	sld [smem:$0x3FFC];
	_ =	sdelay $0x3  }
0xc: {  	_ =	strace s3  }
0xd: {  	s3 =	sld [smem:$0x3FFD];
	_ =	sdelay $0x3  }
0xe: {  	_ =	strace s3  }
0xf: {  	_ =	strace $0x8FFFFFFF  }
0x10: {  	s20 =	sld [smem:$0x3FDB];
	_ =	sdelay $0x1  }
0x11: {  	s4 =	simm.s32 $_scs_section_size  }
0x12: {  	s5 =	simm.s32 $_size__tile_overlayer_lowered;
	s6 =	simm.s32 $_tile_overlayer_lowered  }
0x13: {  	s23 =	simm.s32 $0x1BFF;
	s22 =	sshll.u32 s6, $0x1;
	s3 =	sadd.s32 s4, s20  }
0x14: {  	s7 =	simm.s32 $0x0;
	s21 =	sshll.u32 s5, $0x1;
	s5 =	sadd.s32 s22, s3  }
0x15: {  	[timem:s7], [sflag:s23] =	dma.local [hbm:s5], s21  }
0x16: {  	_ =	swait.ge [sflag:s23], s21  }
0x17: {  	s4 =	ssub.s32 $0x0, s21;
	[sflag:s23] =	ssyncset.done $0x0  }
0x18: {  	[sflag:s23] =	ssyncadd.s32 s4;
	_ =	sdelay $0x1  }
0x19: {  	s24 =	simm.s32 $0x1B8B  }
0x1a: {  	_ =	swait.ge [sflag:s24], $0x1  }
0x1b: {  	[sflag:s24] =	ssyncset.done $0x0  }
0x1c: {  	s26 =	simm.s32 $0x1B8E;
	s25 =	sld [smem:$0x3FFE];
	[sflag:s24] =	ssyncadd.s32 $0xFFFFFFFF  }
0x1d: {  	s27 =	simm.s32 $execute0_lowered;
	[smem:$0x3FD2] =	sst s26  }
0x1e: {  	s5 =	sshll.u32 s27, $0x1;
	_ =	strace $0x80000049;
	[dreg:$0x1] =	wrdreg $0xFFFFFFFF  }
0x1f: {  	s28 =	simm.s32 $_size_execute0_lowered;
	s3 =	sadd.s32 s3, s5;
	[dreg:$0x0] =	wrdreg $0x0  }
0x20: {  	s5 =	sshll.u32 s28, $0x1;
	[dreg:$0x2] =	wrdreg s3  }
0x21: {  	[dreg:$0x3] =	wrdreg s5  }
0x22: {  	[dreg:$0x4] =	wrdreg $0xC0  }
0x23: {  	_ =	task [dreg:s7], $0x5FFFF  }
0x24: {  	[dreg:$0x1] =	wrdreg $0xFFFFFFFF  }
0x25: {  	[dreg:$0x0] =	wrdreg $0x60  }
0x26: {  	[dreg:$0x2] =	wrdreg s25  }
0x27: {  	[dreg:$0x3] =	wrdreg s2  }
0x28: {  	[dreg:$0x4] =	wrdreg $0x9  }
0x29: {  	_ =	task.clear_ibuf [dreg:s7], $0x5FFFF;
	_ =	strace $0x90000049  }
0x2a: {  	s29 =	simm.s32 $0x9;
	_ =	strace $0x8000004B  }
0x2b: {  	_ =	swait.ge [sflag:s29], $0x1  }
0x2c: {  	[sflag:s29] =	ssyncadd.s32 $0xFFFFFFFF  }
0x2d: {  	_ =	strace $0x9000004B  }
0x2e: {  	_ =	sfence  }
0x2f: {  	s30 =	sld [smem:$0x0];
	_ =	sdelay $0x2  }
0x30: {  	s31 =	sshll.u32 s1, $0xD;
	s1 =	sshrl.u32 s1, $0x2  }
0x31: {  	s3 =	sand.u32 $0x4000, s31;
	s1 =	sadd.s32 s1, s30  }
0x32: {  	s0 =	sor.u32 s3, s0;
	s1 =	sshll.u32 s1, $0x11  }
0x33: {  	s0 =	sor.u32 s1, s0  }
0x34: {  	s0 =	sadd.s32 $0x8F2B, s0  }
0x35: {  	[sflag:s0] =	ssyncadd.remote.s32 $0x1  }
0x36: {  	_ =	sfence.sel $0xFFFF  }
0x37: {  	[dreg:$0x0] =	wrdreg $0xFFFFFFFF;
	(pc) =	sbr.abs _section_cstart, $3  }
0x38: {  	[dreg:$0x1] =	wrdreg $0xFFFFFFFF  }
0x39: {  	_ =	task.clear_ibuf [dreg:s7], $0x2FFFF;
	_ =	strace $0x9FFFFFFF  }
0x3a: {  	(tm) =	ssettm $0x7FFFFFFF  }
0x3b: {  	_ =	shalt  }
tec
execute0_lowered:
.L_overlay_start_1:
0x0: {  	(tag) =	ssettag $0x1  }
0x1: {  	s0 =	srdreg.scid  }
0x2: {  	s1 =	sshll.u32 s0, $0x4  }
0x3: {  	s0 =	stileid.u32;
	s1 =	sand.u32 $0x10, s1  }
0x4: {  	s7 =	rddreg [dreg:$0x0];
	s1 =	sor.u32 s0, s1  }
0x5: {  	s4 =	simm.s32 $0x1;
	s8 =	simm.s32 $0x2;
	s2 =	sshll.u32 s1, $0x7  }
0x6: {  	s13 =	simm.s32 $0x0;
	s9 =	simm.s32 $0x20000;
	s1 =	ssub.s32 $0x4000, s2  }
0x7: {  	s14 =	simm.s32 $0x0;
	s11 =	simm.s32 $0x0;
	s3 =	sand.u32 $0xF80, s1  }
0x8: {  	s12 =	simm.s32 $0x0;
	s5 =	sshrl.u32 s1, $0xC;
	p0 =	sne.s32 s3, $0x0  }
.Ltmp0:
0x9: {  	s1 =	rddreg [dreg:$0x2];
	s4 =	simm.s32 @!p0 $0x0;
	(pc) =	sbr.rel .LBB1_1-.Ltmp0, $4  }
0xa: {  	s6 =	sadd.s32 $0x800, s7;
	s3 =	rddreg [dreg:$0x1];
	s5 =	sadd.s32 s4, s5  }
0xb: {  	_ =	strace $0x8000004A;
	s4 =	simm.s32 $0x1;
	s5 =	smul.u32 $0xA, s5  }
0xc: {  	s7 =	sadd.s32 $0x40800, s7;
	s10 =	smov.u32 s2;
	[sflag:s4] =	ssyncpa.u1 $0x0  }
0xd: {  	p0 =	por $0x0, $0x0;
	[sflag:s8] =	ssyncpa.u1 $0x0;
	s8 =	sor.u32 $0x1, s5  }
.LBB1_7:
0xe: {  	s15 =	sadd.s32 $0x1000, s10  }
0xf: {  	s13 =	sadd.s32 $0x2, s11;
	s17 =	smov.u32 s11;
	p2 =	sgt.s32 s15, $0x3FFF  }
0x10: {  	s17 =	smov.u32 @p2 s13  }
0x11: {  	s15 =	smov.u32 @p2 s2;
	p2 =	sgt.s32 s17, $0x13  }
0x12: {  	s17 =	simm.s32 @p2 $0x0;
	p2 =	sne.s32 s12, s8  }
.Ltmp1:
0x13: {  	p1 =	slt.u32 s12, $0x2;
	(pc) =	sbr.rel @!p2 .LBB1_8-.Ltmp1, $4  }
0x14: {  	s16 =	simm.s32 @!p1 $0x2  }
0x15: {  	s14 =	smov.u32 s11;
	p0 =	por !p0, !p0;
	_ =	swait.ge @!p1 [sflag:s16], $0x4000  }
0x16: {  	s13 =	smov.u32 s10;
	[sflag:s16] =	ssyncset.done @!p1 $0x0;
	s10 =	smov.u32 s15  }
0x17: {  	s12 =	sadd.s32 $0x1, s12;
	[sflag:s16] =	ssyncadd.s32 @!p1 $0xFFFFC000;
	s11 =	smov.u32 s17  }
.LBB1_1:
0x18: {  	p1 =	sge.u32 s12, s5  }
0x19: {  	s15 =	sxor.u32 @!p1 $0xFFFFFFFF, s12;
	s16 =	sshll.u32 @!p1 s11, $0x12  }
0x1a: {  	s17 =	sshll.u32 @!p1 s10, $0x4;
	s19 =	simm.s32 @!p1 $0x40;
	s20 =	simm.s32 @!p1 $0x80  }
0x1b: {  	s15 =	sshll.u32 @!p1 s15, $0xE;
	s17 =	sand.u32 @!p1 $0x3FFF0, s17;
	s18 =	sadd.s32 @!p1 s6, s16  }
0x1c: {  	s16 =	sadd.s32 @!p1 s16, s7;
	s15 =	sand.u32 @!p1 $0x4000, s15;
	s18 =	sadd.s32 @!p1 s17, s18  }
0x1d: {  	[tilespmem:s15], [sflag:$0x1] =	stream.strided.gather @!p1 [hbm4b:s18+s19], $0x2000, s20, s19, $0x38;
	[tilespmem:$0x10100] =	vst v63  }
0x1e: {  	s31 =	sadd.s32 $0xFFFFFFFF, s12;
	s16 =	sadd.s32 @!p1 s17, s16;
	s15 =	sor.u32 @!p1 $0x2000, s15  }
0x1f: {  	[tilespmem:s15], [sflag:$0x1] =	stream.strided.gather @!p1 [hbm4b:s16+s19], $0x2000, s20, s19, $0x38;
	[tilespmem:$0x10100] =	vst v63  }
0x20: {  	p1 =	sge.u32 s31, s5  }
.Ltmp2:
0x21: {  	_ = 	snop;
	(pc) =	sbr.rel @p1 .LBB1_7-.Ltmp2, $1  }
0x22: {  	_ =	sdelay $0x3  }
0x23: {  	s15 =	simm.s32 $0x1;
	s17 =	sand.u32 $0x1, s12  }
0x24: {  	_ =	swait.ge [sflag:s4], $0x4000;
	s15 =	simm.s32 @!p0 $0x0;
	s17 =	smul.u32 $0x10200, s17  }
0x25: {  	p2 =	por $0x1, $0x1;
	[sflag:s4] =	ssyncset.done $0x0;
	s16 =	smul.u32 $0x10200, s15  }
0x26: {  	s18 =	sshll.u32 s15, $0x10;
	[sflag:s4] =	ssyncadd.s32 $0xFFFFC000;
	s30 =	sshrl.u32 s17, $0x2  }
0x27: {  	s31 =	sshrl.u32 s18, $0x2;
	s18 =	simm.s32 $0x0;
	s16 =	sshrl.u32 s16, $0x2  }
0x28: {  	s15 =	sor.u32 $0x8000, s30;
	s17 =	sadd.s32 $0x20, s31;
	s16 =	sor.u32 $0x8000, s16  }
.LBB1_3:
0x29: {  	s19 =	sshll.u32 s18, $0xD  }
0x2a: {  	s19 =	sand.u32 $0x3FFFE000, s19  }
0x2b: {  	s21 =	sadd.s32 s19, s17  }
0x2c: {  	s31 =	smul.u32 $0x8100, s18;
	v3 =	vld [tilespmem:s21+$0x10]  }
0x2d: {  	v1 =	vld [tilespmem:s21+$0xFFFFFFF0]  }
0x2e: {  	s18 =	sshra.s32 s31, $0x2;
	v0 =	vld [tilespmem:s21+$0x0]  }
0x2f: {  	s18 =	sadd.s32 s18, s16;
	v2 =	vld [tilespmem:s21+$0xFFFFFFE0]  }
0x30: {  	s19 =	sadd.s32 $0x0, s18  }
0x31: {  	p1 =	por p2, p2;
	s20 =	simm.s32 $0x4;
	s21 =	sadd.s32 $0x40, s21;
	[tilespmem:s19+$0x1830 ss:$0x81] =	vst.msk $0xffff, v3  }
.LBB1_4:
0x32: {  	v3 =	vld [tilespmem:s21+$0x10];
	p2 =	sne.s32 s20, $0x1FC;
	[tilespmem:s19+$0x810 ss:$0x81] =	vst.msk $0xffff, v1;
	s22 =	smov.u32 s20;
	s20 =	sadd.s32 $0x4, s20  }
.Ltmp3:
0x33: {  	v1 =	vld [tilespmem:s21+$0xFFFFFFF0];
	[tilespmem:s19+$0x1020 ss:$0x81] =	vst.msk $0xffff, v0;
	(pc) =	sbr.rel @p2 .LBB1_4-.Ltmp3, $4  }
0x34: {  	v0 =	vld [tilespmem:s21+$0x0];
	[tilespmem:s19+$0x0 ss:$0x81] =	vst.msk $0xffff, v2  }
0x35: {  	s19 =	sshra.s32 s22, $0x2;
	v2 =	vld [tilespmem:s21+$0xFFFFFFE0]  }
0x36: {  	s19 =	sadd.s32 s19, s18  }
0x37: {  	s21 =	sadd.s32 $0x40, s21;
	[tilespmem:s19+$0x1830 ss:$0x81] =	vst.msk $0xffff, v3  }
.Ltmp4:
0x38: {  	(pc) =	sbr.rel @p1 .LBB1_3-.Ltmp4, $4  }
0x39: {  	_ = 	snop  }
0x3a: {  	[tilespmem:s19+$0x810 ss:$0x81] =	vst.msk $0xffff, v1  }
0x3b: {  	[tilespmem:s19+$0x1020 ss:$0x81] =	vst.msk $0xffff, v0  }
0x3c: {  	s18 =	simm.s32 $0x1;
	p2 =	por $0x0, $0x0;
	[tilespmem:s19+$0x0 ss:$0x81] =	vst.msk $0xffff, v2  }
0x3d: {  	s16 =	sshll.u32 s13, $0x3;
	s17 =	sand.u32 $0x78, s13;
	s14 =	sshll.u32 s14, $0x11  }
.Ltmp5:
0x3e: {  	s30 =	sand.u32 $0x1F800, s13;
	s16 =	sand.u32 $0x3C00, s16;
	(pc) =	sbr.rel .LBB1_7-.Ltmp5, $4  }
0x3f: {  	s31 =	sand.u32 $0x7, s13;
	s14 =	sadd.s32 s3, s14;
	s16 =	sor.u32 s17, s16  }
0x40: {  	s13 =	sshll.u32 s31, $0x12;
	s14 =	sadd.s32 s30, s14;
	s16 =	sshrl.u32 s16, $0x3  }
0x41: {  	s13 =	sor.u32 $0x400, s13;
	s14 =	sadd.s32 s16, s14  }
0x42: {  	[hbm4b:s14+s13] =	stream.strided.scatter [tilespmem:s15], [sflag:$0x2], $0x4000, s9, s13, $0x20;
	[tilespmem:$0x10100] =	vst v63  }
.LBB1_8:
0x43: {  	_ =	sfence.sel $0x180000  }
0x44: {  	s2 =	simm.s32 $0x1;
	[bflag:$0x0] =	sbarrier.arrive $0xFFFF  }
0x45: {  	s31 =	simm.s32 $0x2;
	[sflag:s2] =	ssyncpa.u1 $0x1  }
0x46: {  	[sflag:s31] =	ssyncpa.u1 $0x1  }
0x47: {  	p0 =	sne.s32 s0, $0x0;
	_ =	strace $0x9000004A  }
0x48: {  	s0 =	sadd.s32 @!p0 $0x100000, s1;
	[bflag:$0x2] =	sbarrier.arrive $0xFFFF  }
0x49: {  	[sflag:s0] =	ssyncadd.tile.s32 @!p0 $0x1;
	_ =	shalt  }
.Lfunc_end1:
_tile_overlayer_lowered:
.L_overlay_start_2:
0x4a: {  	(tag) =	ssettag $0x2  }
0x4b: {  	s0 =	rddreg [dreg:$0x0];
	s2 =	stileid.u32  }
0x4c: {  	s1 =	rddreg [dreg:$0x1];
	p0 =	sne.s32 s2, $0x0  }
0x4d: {  	s3 =	rddreg [dreg:$0x2];
	[bflag:$0x3] =	sbarrier.arrive $0xFFFF;
	s2 =	simm.s32 @!p0 $0x1C01  }
0x4e: {  	[timem:s3], [sflag:s2] =	dma.local @!p0 [hbm:s0], s1  }
0x4f: {  	s0 =	simm.s32 @!p0 $0x1  }
0x50: {  	_ =	swait.ge @!p0 [sflag:s0], s1  }
0x51: {  	s1 =	ssub.s32 @!p0 $0x0, s1;
	[sflag:s0] =	ssyncset.done @!p0 $0x0  }
0x52: {  	[sflag:s0] =	ssyncadd.s32 @!p0 s1  }
0x53: {  	[bflag:$0x3] =	sbarrier.arrive $0xFFFF  }
0x54: {  	_ =	shalt  }

</sc_bundles>
